<compile_context>
chip_gen: v7x
topology: tpu7x:2x2x1
jax: 0.10.2.dev20260603
libtpu: 0.0.44.dev20260713+nightly
codegen_flags: <defaults>
</compile_context>

<pallas_src>
import functools

import jax
import jax.numpy as jnp
from jax import lax
from jax.experimental import pallas as pl
from jax.experimental.pallas import tpu as pltpu
from jax.experimental.pallas import tpu_sc as plsc

E = 64
K = 8
NT = 32768
L = 16
NC, NS = 2, 16
NW = NC * NS

NT_SC = 4096
NT_TC = NT - NT_SC
TSUB = NT_SC // NW
TB = 4096


def _sc_router_body(logits_hbm, w_hbm, ids_hbm, hist_hbm, lg_v, w_v, ids_v, hist_v):
    wid = lax.axis_index("s") * NC + lax.axis_index("c")
    base = wid * TSUB

    pltpu.sync_copy(logits_hbm.at[pl.ds(base * E, TSUB * E)], lg_v)

    lane = lax.iota(jnp.int32, L)
    low8 = lane < 8
    ones = jnp.ones((L,), jnp.float32)
    zeros = jnp.zeros((L,), jnp.float32)
    group_ids = [lane + g * L for g in range(E // L)]

    for g in range(E // L):
        hist_v[pl.ds(g * L, L)] = zeros

    perm7 = jnp.maximum(7 - lane, 0)
    shift8 = jnp.maximum(lane - 8, 0)

    gather_dnums = lax.GatherDimensionNumbers(
        offset_dims=(), collapsed_slice_dims=(0,), start_index_map=(0,)
    )

    def take(x, idx):
        return lax.gather(
            x, idx[:, None], gather_dnums, (1,),
            mode=lax.GatherScatterMode.PROMISE_IN_BOUNDS,
        )

    def cmerge(a, b):
        av, ai = a
        bv, bi = b
        bvp, bip = take(bv, perm7), take(bi, perm7)
        c = av >= bvp
        return jnp.where(c, av, bvp), jnp.where(c, ai, bip)

    def one_token(t):
        o = t * E
        runs = []
        for g in range(E // L):
            v = lg_v[pl.ds(o + g * L, L)]
            runs.append(plsc.sort_key_val(v, group_ids[g], descending=True))
        m01v, m01i = cmerge(runs[0], runs[1])
        m23v, m23i = cmerge(runs[2], runs[3])
        cv = jnp.where(low8, m01v, take(m23v, shift8))
        ci = jnp.where(low8, m01i, take(m23i, shift8))
        fv, fi = plsc.sort_key_val(cv, ci, descending=True)
        w = jnp.exp(fv - jnp.max(fv))
        w = jnp.where(low8, w, 0.0)
        w = w / jnp.sum(w)
        out_idx = t * K + lane
        plsc.store_scatter(w_v, [out_idx], w, mask=low8)
        plsc.store_scatter(ids_v, [out_idx], fi, mask=low8)
        plsc.addupdate_scatter(hist_v, [fi], ones, mask=low8)

    UNROLL = 4
    def token_body(i, _):
        t0 = i * UNROLL
        for u in range(UNROLL):
            one_token(t0 + u)
        return _

    lax.fori_loop(0, TSUB // UNROLL, token_body, None)

    pltpu.sync_copy(w_v, w_hbm.at[pl.ds(base * K, TSUB * K)])
    pltpu.sync_copy(ids_v, ids_hbm.at[pl.ds(base * K, TSUB * K)])
    pltpu.sync_copy(hist_v, hist_hbm.at[pl.ds(wid * E, E)])


_sc_router = functools.partial(
    pl.kernel,
    mesh=plsc.VectorSubcoreMesh(
        core_axis_name="c", subcore_axis_name="s", num_cores=NC, num_subcores=NS
    ),
    out_type=(
        jax.ShapeDtypeStruct((NT_SC * K,), jnp.float32),
        jax.ShapeDtypeStruct((NT_SC * K,), jnp.int32),
        jax.ShapeDtypeStruct((NW * E,), jnp.float32),
    ),
    scratch_types=[
        pltpu.VMEM((TSUB * E,), jnp.float32),
        pltpu.VMEM((TSUB * K,), jnp.float32),
        pltpu.VMEM((TSUB * K,), jnp.int32),
        pltpu.VMEM((E,), jnp.float32),
    ],
    compiler_params=pltpu.CompilerParams(needs_layout_passes=False),
)(_sc_router_body)


def _tc_router_body(x_ref, xout_ref, w_ref, ids_ref, cnt_ref):
    i = pl.program_id(0)
    x = x_ref[...]
    xout_ref[...] = x

    @pl.when(i == 0)
    def _():
        cnt_ref[...] = jnp.zeros((E,), jnp.float32)

    @pl.when(i < NT_TC // TB)
    def _():
        iota_e = lax.broadcasted_iota(jnp.int32, (E, TB), 0)
        bits = lax.bitcast_convert_type(x, jnp.int32)
        lowsel = jnp.where(bits < 0, iota_e, 63 - iota_e)
        key = lax.bitcast_convert_type((bits & jnp.int32(~63)) | lowsel, jnp.float32)
        mkeys = []
        for k in range(K):
            mkey = jnp.max(key, axis=0, keepdims=True)
            key = jnp.where(key == mkey, -jnp.inf, key)
            mkeys.append(mkey)
        mk = jnp.concatenate(mkeys, axis=0)
        mkb = lax.bitcast_convert_type(mk, jnp.int32)
        idc = jnp.where(mkb < 0, mkb & 63, 63 - (mkb & 63))
        w = jnp.exp(mk - mk[0:1, :])
        w_ref[...] = w / jnp.sum(w, axis=0, keepdims=True)
        ids_ref[...] = idc
        sel = (key == -jnp.inf).astype(jnp.float32)
        cnt_ref[...] += jnp.sum(sel, axis=1)


_tc_router = pl.pallas_call(
    _tc_router_body,
    grid=(NT // TB,),
    in_specs=[pl.BlockSpec((E, TB), lambda i: (0, i))],
    out_specs=[
        pl.BlockSpec((E, TB), lambda i: (0, i)),
        pl.BlockSpec((K, TB), lambda i: (0, i)),
        pl.BlockSpec((K, TB), lambda i: (0, i)),
        pl.BlockSpec((E,), lambda i: (0,)),
    ],
    out_shape=(
        jax.ShapeDtypeStruct((E, NT), jnp.float32),
        jax.ShapeDtypeStruct((K, NT), jnp.float32),
        jax.ShapeDtypeStruct((K, NT), jnp.int32),
        jax.ShapeDtypeStruct((E,), jnp.float32),
    ),
)


def _hist_reduce_body(p_ref, t_ref, o_ref):
    o_ref[...] = jnp.sum(p_ref[...], axis=0) + t_ref[...]


def kernel(logits):
    xT_out, wT_tc, idsT_tc, cnt_tc = _tc_router(logits.T)
    w_sc, ids_sc, partials = _sc_router(logits[NT_TC:, :].reshape(-1))
    tokens_per_expert = pl.pallas_call(
        _hist_reduce_body,
        out_shape=jax.ShapeDtypeStruct((E,), jnp.float32),
    )(partials.reshape(NW, E), cnt_tc)
    wT = lax.dynamic_update_slice(wT_tc, w_sc.reshape(NT_SC, K).T, (0, NT_TC))
    idsT = lax.dynamic_update_slice(idsT_tc, ids_sc.reshape(NT_SC, K).T, (0, NT_TC))
    return (xT_out.T, wT.T, idsT.T, tokens_per_expert)

# --- scband reference (transcript-rebuilt; emitter-appended) ---
"""Pipeline reference for scband-greedy-router-46909632807587 (READ-ONLY COPY).

The authoritative reference and input builder live on the scoring server;
editing this copy changes nothing except your own understanding.
"""

import jax, jax.numpy as jnp
import numpy as np

N_ROUTED_EXPERTS = 64
TOP_K = 8
NORM_TOPK_PROB = True
ROUTER_SCALING_FACTOR = 1.0
N_TOKENS = 32768


def setup_inputs(seed: int = 0) -> dict:
    key = jax.random.key(seed)
    logits = jax.random.normal(key, (N_TOKENS, N_ROUTED_EXPERTS), dtype=jnp.float32)
    return {"logits": logits}


def reference(logits):
    # scoring_func == 'softmax'
    routing_weights = jax.nn.softmax(logits.astype(jnp.float32), axis=1)
    # top-k selection per token
    topk_weights, topk_ids = jax.lax.top_k(routing_weights, TOP_K)
    if NORM_TOPK_PROB:
        topk_weights = topk_weights / jnp.sum(topk_weights, axis=-1, keepdims=True)
    if ROUTER_SCALING_FACTOR != 1.0:
        topk_weights = topk_weights * ROUTER_SCALING_FACTOR
    # torch.histc(topk_ids, bins=E, min=0, max=E) with integer ids in [0, E-1]
    # reduces to a per-expert count -> bincount
    tokens_per_expert = jnp.bincount(
        topk_ids.reshape(-1), length=N_ROUTED_EXPERTS
    ).astype(jnp.float32)
    return (logits, topk_weights, topk_ids, tokens_per_expert)

if __name__ == "__main__":
    import jax
    _d = setup_inputs()
    print(jax.jit(kernel)(*tuple(_d.values())))

</pallas_src>

<mosaic_0001>
#map = affine_map<(d0, d1) -> (0)>
module attributes {stable_mosaic.version = 14 : i64} {
  func.func @_sc_router_body(%arg0: i32, %arg1: i32, %arg2: memref<262144xf32, #tpu.memory_space<hbm>>, %arg3: memref<32768xf32, #tpu.memory_space<hbm>>, %arg4: memref<32768xi32, #tpu.memory_space<hbm>>, %arg5: memref<2048xf32, #tpu.memory_space<hbm>>, %arg6: memref<8192xf32, #tpu.memory_space<vmem>>, %arg7: memref<1024xf32, #tpu.memory_space<vmem>>, %arg8: memref<1024xi32, #tpu.memory_space<vmem>>, %arg9: memref<64xf32, #tpu.memory_space<vmem>>) attributes {dimension_semantics = [#tpu.dimension_semantics<core_parallel>, #tpu.dimension_semantics<subcore_parallel>], iteration_bounds = array<i64: 2, 16>, scalar_prefetch = 0 : i64, scratch_operands = 4 : i64, tpu.core_type = #tpu.core_type<sc_vector_subcore>, window_params = [{transform_indices = #map}, {transform_indices = #map}, {transform_indices = #map}, {transform_indices = #map}]} {
    %mul3A = arith.constant 2 : i32
    %mul3A_0 = arith.muli %arg1, %mul3A : i32
    %add3A = arith.addi %mul3A_0, %arg0 : i32
    %mul3A_1 = arith.constant 128 : i32
    %mul3A_2 = arith.muli %add3A, %mul3A_1 : i32
    %mul3A_3 = arith.constant 64 : i32
    %mul3A_4 = arith.muli %mul3A_2, %mul3A_3 : i32
    "tpu.region"() ({
      %run_scoped3A = tpu.sem_alloc : memref<!tpu.dma_semaphore, #tpu.memory_space<semaphore_mem>>
      %dma_start3A = tpu.memref_slice %arg2[%mul3A_4] : memref<262144xf32, #tpu.memory_space<hbm>> -> memref<8192xf32, #tpu.memory_space<hbm>>
      %dma_start3A_49 = tpu.memref_slice %arg2[%mul3A_4] : memref<262144xf32, #tpu.memory_space<hbm>> -> memref<8192xf32, #tpu.memory_space<hbm>>
      tpu.enqueue_dma source(%dma_start3A_49 : memref<8192xf32, #tpu.memory_space<hbm>>) target(%arg6 : memref<8192xf32, #tpu.memory_space<vmem>>) target_semaphore(%run_scoped3A : memref<!tpu.dma_semaphore, #tpu.memory_space<semaphore_mem>>)
      %dma_wait3A = tpu.memref_slice %arg2[%mul3A_4] : memref<262144xf32, #tpu.memory_space<hbm>> -> memref<8192xf32, #tpu.memory_space<hbm>>
      %dma_wait3A_50 = tpu.memref_slice %arg2[%mul3A_4] : memref<262144xf32, #tpu.memory_space<hbm>> -> memref<8192xf32, #tpu.memory_space<hbm>>
      tpu.wait_dma2 semaphore(%run_scoped3A : memref<!tpu.dma_semaphore, #tpu.memory_space<semaphore_mem>>) src(%dma_wait3A_50 : memref<8192xf32, #tpu.memory_space<hbm>>) dst(%arg6 : memref<8192xf32, #tpu.memory_space<vmem>>)
      tpu.yield
    }) : () -> ()
    %iota3A = tpu.iota {dimensions = array<i32: 0>} : vector<16xi32>
    %lt3A = arith.constant 8 : i32
    %lt3A_5 = vector.broadcast %lt3A : i32 to vector<16xi32>
    %lt3A_6 = arith.cmpi slt, %iota3A, %lt3A_5 : vector<16xi32>
    %broadcast_in_dim3A = arith.constant 1.000000e+00 : f32
    %broadcast_in_dim3A_7 = vector.broadcast %broadcast_in_dim3A : f32 to vector<16xf32>
    %broadcast_in_dim3A_8 = arith.constant 0.000000e+00 : f32
    %broadcast_in_dim3A_9 = vector.broadcast %broadcast_in_dim3A_8 : f32 to vector<16xf32>
    %add3A_10 = arith.constant 0 : i32
    %add3A_11 = vector.broadcast %add3A_10 : i32 to vector<16xi32>
    %add3A_12 = arith.addi %iota3A, %add3A_11 : vector<16xi32>
    %add3A_13 = arith.constant 16 : i32
    %add3A_14 = vector.broadcast %add3A_13 : i32 to vector<16xi32>
    %add3A_15 = arith.addi %iota3A, %add3A_14 : vector<16xi32>
    %add3A_16 = arith.constant 32 : i32
    %add3A_17 = vector.broadcast %add3A_16 : i32 to vector<16xi32>
    %add3A_18 = arith.addi %iota3A, %add3A_17 : vector<16xi32>
    %add3A_19 = arith.constant 48 : i32
    %add3A_20 = vector.broadcast %add3A_19 : i32 to vector<16xi32>
    %add3A_21 = arith.addi %iota3A, %add3A_20 : vector<16xi32>
    %swap3A = arith.constant 0 : index
    %swap3A_22 = tpu.vector_load %arg9[%swap3A] {strides = array<i32>} : memref<64xf32, #tpu.memory_space<vmem>>, vector<16xf32>,
    tpu.vector_store %arg9[%swap3A], %broadcast_in_dim3A_9 {strides = array<i32>} : memref<64xf32, #tpu.memory_space<vmem>>, vector<16xf32>,
    %swap3A_23 = arith.constant 16 : index
    %swap3A_24 = tpu.vector_load %arg9[%swap3A_23] {strides = array<i32>} : memref<64xf32, #tpu.memory_space<vmem>>, vector<16xf32>,
    tpu.vector_store %arg9[%swap3A_23], %broadcast_in_dim3A_9 {strides = array<i32>} : memref<64xf32, #tpu.memory_space<vmem>>, vector<16xf32>,
    %swap3A_25 = arith.constant 32 : index
    %swap3A_26 = tpu.vector_load %arg9[%swap3A_25] {strides = array<i32>} : memref<64xf32, #tpu.memory_space<vmem>>, vector<16xf32>,
    tpu.vector_store %arg9[%swap3A_25], %broadcast_in_dim3A_9 {strides = array<i32>} : memref<64xf32, #tpu.memory_space<vmem>>, vector<16xf32>,
    %swap3A_27 = arith.constant 48 : index
    %swap3A_28 = tpu.vector_load %arg9[%swap3A_27] {strides = array<i32>} : memref<64xf32, #tpu.memory_space<vmem>>, vector<16xf32>,
    tpu.vector_store %arg9[%swap3A_27], %broadcast_in_dim3A_9 {strides = array<i32>} : memref<64xf32, #tpu.memory_space<vmem>>, vector<16xf32>,
    %sub3A = arith.constant 7 : i32
    %sub3A_29 = vector.broadcast %sub3A : i32 to vector<16xi32>
    %sub3A_30 = arith.subi %sub3A_29, %iota3A : vector<16xi32>
    %max3A = arith.constant 0 : i32
    %max3A_31 = vector.broadcast %max3A : i32 to vector<16xi32>
    %max3A_32 = arith.maxsi %sub3A_30, %max3A_31 : vector<16xi32>
    %sub3A_33 = arith.constant 8 : i32
    %sub3A_34 = vector.broadcast %sub3A_33 : i32 to vector<16xi32>
    %sub3A_35 = arith.subi %iota3A, %sub3A_34 : vector<16xi32>
    %max3A_36 = arith.constant 0 : i32
    %max3A_37 = vector.broadcast %max3A_36 : i32 to vector<16xi32>
    %max3A_38 = arith.maxsi %sub3A_35, %max3A_37 : vector<16xi32>
    %scan3A = arith.constant 0 : i32
    %scan3A_39 = arith.constant 32 : i32
    %scan3A_40 = arith.addi %scan3A, %scan3A_39 : i32
    %scan3A_41 = arith.constant 1 : i32
    scf.for %scan3A_49 = %scan3A to %scan3A_40 step %scan3A_41  : i32 {
      %mul3A_50 = arith.constant 4 : i32
      %mul3A_51 = arith.muli %scan3A_49, %mul3A_50 : i32
      %add3A_52 = arith.constant 0 : i32
      %add3A_53 = arith.addi %mul3A_51, %add3A_52 : i32
      %mul3A_54 = arith.constant 64 : i32
      %mul3A_55 = arith.muli %add3A_53, %mul3A_54 : i32
      %add3A_56 = arith.constant 0 : i32
      %add3A_57 = arith.addi %mul3A_55, %add3A_56 : i32
      %get3A = arith.index_cast %add3A_57 : i32 to index
      %get3A_58 = tpu.vector_load %arg6[%get3A] {strides = array<i32>} : memref<8192xf32, #tpu.memory_space<vmem>>, vector<16xf32>,
      %masked_sort3A = arith.constant dense<true> : vector<16xi1>
      %masked_sort3A_59, %masked_sort3A_60, %masked_sort3A_61 = tpu.sort %get3A_58, %add3A_12 masked %masked_sort3A {descending = true} : (vector<16xf32>, vector<16xi32>, vector<16xi1>) -> (vector<16xi1>, vector<16xf32>, vector<16xi32>)
      %add3A_62 = arith.constant 16 : i32
      %add3A_63 = arith.addi %mul3A_55, %add3A_62 : i32
      %get3A_64 = arith.index_cast %add3A_63 : i32 to index
      %get3A_65 = tpu.vector_load %arg6[%get3A_64] {strides = array<i32>} : memref<8192xf32, #tpu.memory_space<vmem>>, vector<16xf32>,
      %masked_sort3A_66 = arith.constant dense<true> : vector<16xi1>
      %masked_sort3A_67, %masked_sort3A_68, %masked_sort3A_69 = tpu.sort %get3A_65, %add3A_15 masked %masked_sort3A_66 {descending = true} : (vector<16xf32>, vector<16xi32>, vector<16xi1>) -> (vector<16xi1>, vector<16xf32>, vector<16xi32>)
      %add3A_70 = arith.constant 32 : i32
      %add3A_71 = arith.addi %mul3A_55, %add3A_70 : i32
      %get3A_72 = arith.index_cast %add3A_71 : i32 to index
      %get3A_73 = tpu.vector_load %arg6[%get3A_72] {strides = array<i32>} : memref<8192xf32, #tpu.memory_space<vmem>>, vector<16xf32>,
      %masked_sort3A_74 = arith.constant dense<true> : vector<16xi1>
      %masked_sort3A_75, %masked_sort3A_76, %masked_sort3A_77 = tpu.sort %get3A_73, %add3A_18 masked %masked_sort3A_74 {descending = true} : (vector<16xf32>, vector<16xi32>, vector<16xi1>) -> (vector<16xi1>, vector<16xf32>, vector<16xi32>)
      %add3A_78 = arith.constant 48 : i32
      %add3A_79 = arith.addi %mul3A_55, %add3A_78 : i32
      %get3A_80 = arith.index_cast %add3A_79 : i32 to index
      %get3A_81 = tpu.vector_load %arg6[%get3A_80] {strides = array<i32>} : memref<8192xf32, #tpu.memory_space<vmem>>, vector<16xf32>,
      %masked_sort3A_82 = arith.constant dense<true> : vector<16xi1>
      %masked_sort3A_83, %masked_sort3A_84, %masked_sort3A_85 = tpu.sort %get3A_81, %add3A_21 masked %masked_sort3A_82 {descending = true} : (vector<16xf32>, vector<16xi32>, vector<16xi1>) -> (vector<16xi1>, vector<16xf32>, vector<16xi32>)
      %broadcast_in_dim3A_86 = vector.shape_cast %max3A_32 : vector<16xi32> to vector<16x1xi32>
      %gather3A = vector.shape_cast %broadcast_in_dim3A_86 : vector<16x1xi32> to vector<16xi32>
      %gather3A_87 = tpu.dynamic_gather %masked_sort3A_68[%gather3A] in [0] : vector<16xf32>, vector<16xi32> -> vector<16xf32>
      %broadcast_in_dim3A_88 = vector.shape_cast %max3A_32 : vector<16xi32> to vector<16x1xi32>
      %gather3A_89 = vector.shape_cast %broadcast_in_dim3A_88 : vector<16x1xi32> to vector<16xi32>
      %gather3A_90 = tpu.dynamic_gather %masked_sort3A_69[%gather3A_89] in [0] : vector<16xi32>, vector<16xi32> -> vector<16xi32>
      %ge3A = arith.cmpf oge, %masked_sort3A_60, %gather3A_87 : vector<16xf32>
      %select_n3A = arith.select %ge3A, %masked_sort3A_60, %gather3A_87 : vector<16xi1>, vector<16xf32>
      %select_n3A_91 = arith.select %ge3A, %masked_sort3A_61, %gather3A_90 : vector<16xi1>, vector<16xi32>
      %broadcast_in_dim3A_92 = vector.shape_cast %max3A_32 : vector<16xi32> to vector<16x1xi32>
      %gather3A_93 = vector.shape_cast %broadcast_in_dim3A_92 : vector<16x1xi32> to vector<16xi32>
      %gather3A_94 = tpu.dynamic_gather %masked_sort3A_84[%gather3A_93] in [0] : vector<16xf32>, vector<16xi32> -> vector<16xf32>
      %broadcast_in_dim3A_95 = vector.shape_cast %max3A_32 : vector<16xi32> to vector<16x1xi32>
      %gather3A_96 = vector.shape_cast %broadcast_in_dim3A_95 : vector<16x1xi32> to vector<16xi32>
      %gather3A_97 = tpu.dynamic_gather %masked_sort3A_85[%gather3A_96] in [0] : vector<16xi32>, vector<16xi32> -> vector<16xi32>
      %ge3A_98 = arith.cmpf oge, %masked_sort3A_76, %gather3A_94 : vector<16xf32>
      %select_n3A_99 = arith.select %ge3A_98, %masked_sort3A_76, %gather3A_94 : vector<16xi1>, vector<16xf32>
      %select_n3A_100 = arith.select %ge3A_98, %masked_sort3A_77, %gather3A_97 : vector<16xi1>, vector<16xi32>
      %broadcast_in_dim3A_101 = vector.shape_cast %max3A_38 : vector<16xi32> to vector<16x1xi32>
      %gather3A_102 = vector.shape_cast %broadcast_in_dim3A_101 : vector<16x1xi32> to vector<16xi32>
      %gather3A_103 = tpu.dynamic_gather %select_n3A_99[%gather3A_102] in [0] : vector<16xf32>, vector<16xi32> -> vector<16xf32>
      %select_n3A_104 = arith.select %lt3A_6, %select_n3A, %gather3A_103 : vector<16xi1>, vector<16xf32>
      %broadcast_in_dim3A_105 = vector.shape_cast %max3A_38 : vector<16xi32> to vector<16x1xi32>
      %gather3A_106 = vector.shape_cast %broadcast_in_dim3A_105 : vector<16x1xi32> to vector<16xi32>
      %gather3A_107 = tpu.dynamic_gather %select_n3A_100[%gather3A_106] in [0] : vector<16xi32>, vector<16xi32> -> vector<16xi32>
      %select_n3A_108 = arith.select %lt3A_6, %select_n3A_91, %gather3A_107 : vector<16xi1>, vector<16xi32>
      %masked_sort3A_109 = arith.constant dense<true> : vector<16xi1>
      %masked_sort3A_110, %masked_sort3A_111, %masked_sort3A_112 = tpu.sort %select_n3A_104, %select_n3A_108 masked %masked_sort3A_109 {descending = true} : (vector<16xf32>, vector<16xi32>, vector<16xi1>) -> (vector<16xi1>, vector<16xf32>, vector<16xi32>)
      %reduce_max3A = arith.constant true
      %reduce_max3A_113 = vector.broadcast %reduce_max3A : i1 to vector<16xi1>
      %reduce_max3A_114 = tpu.scan <max>, %masked_sort3A_111 masked %reduce_max3A_113 : vector<16xf32>, vector<16xi1> -> vector<16xf32>
      %reduce_max3A_115 = vector.extract %reduce_max3A_114[15] : f32 from vector<16xf32>
      %sub3A_116 = vector.broadcast %reduce_max3A_115 : f32 to vector<16xf32>
      %sub3A_117 = arith.subf %masked_sort3A_111, %sub3A_116 : vector<16xf32>
      %exp3A = math.exp %sub3A_117 : vector<16xf32>
      %jit3A = arith.constant 0.000000e+00 : f32
      %broadcast_in_dim3A_118 = vector.broadcast %jit3A : f32 to vector<16xf32>
      %select_n3A_119 = arith.select %lt3A_6, %exp3A, %broadcast_in_dim3A_118 : vector<16xi1>, vector<16xf32>
      %reduce_sum3A = arith.constant true
      %reduce_sum3A_120 = vector.broadcast %reduce_sum3A : i1 to vector<16xi1>
      %reduce_sum3A_121 = tpu.scan <sum>, %select_n3A_119 masked %reduce_sum3A_120 : vector<16xf32>, vector<16xi1> -> vector<16xf32>
      %reduce_sum3A_122 = vector.extract %reduce_sum3A_121[15] : f32 from vector<16xf32>
      %div3A = vector.broadcast %reduce_sum3A_122 : f32 to vector<16xf32>
      %div3A_123 = arith.divf %select_n3A_119, %div3A : vector<16xf32>
      %mul3A_124 = arith.constant 8 : i32
      %mul3A_125 = arith.muli %add3A_53, %mul3A_124 : i32
      %add3A_126 = vector.broadcast %mul3A_125 : i32 to vector<16xi32>
      %add3A_127 = arith.addi %add3A_126, %iota3A : vector<16xi32>
      tpu.vector_store_idx %arg7[%add3A_127], %div3A_123 masked %lt3A_6 : memref<1024xf32, #tpu.memory_space<vmem>>[vector<16xi32>], vector<16xf32>, vector<16xi1>
      tpu.vector_store_idx %arg8[%add3A_127], %masked_sort3A_112 masked %lt3A_6 : memref<1024xi32, #tpu.memory_space<vmem>>[vector<16xi32>], vector<16xi32>, vector<16xi1>
      tpu.vector_store_idx %arg9[%masked_sort3A_112], %broadcast_in_dim3A_7 masked %lt3A_6 {add = true} : memref<64xf32, #tpu.memory_space<vmem>>[vector<16xi32>], vector<16xf32>, vector<16xi1>
      %add3A_128 = arith.constant 1 : i32
      %add3A_129 = arith.addi %mul3A_51, %add3A_128 : i32
      %mul3A_130 = arith.constant 64 : i32
      %mul3A_131 = arith.muli %add3A_129, %mul3A_130 : i32
      %add3A_132 = arith.constant 0 : i32
      %add3A_133 = arith.addi %mul3A_131, %add3A_132 : i32
      %get3A_134 = arith.index_cast %add3A_133 : i32 to index
      %get3A_135 = tpu.vector_load %arg6[%get3A_134] {strides = array<i32>} : memref<8192xf32, #tpu.memory_space<vmem>>, vector<16xf32>,
      %masked_sort3A_136 = arith.constant dense<true> : vector<16xi1>
      %masked_sort3A_137, %masked_sort3A_138, %masked_sort3A_139 = tpu.sort %get3A_135, %add3A_12 masked %masked_sort3A_136 {descending = true} : (vector<16xf32>, vector<16xi32>, vector<16xi1>) -> (vector<16xi1>, vector<16xf32>, vector<16xi32>)
      %add3A_140 = arith.constant 16 : i32
      %add3A_141 = arith.addi %mul3A_131, %add3A_140 : i32
      %get3A_142 = arith.index_cast %add3A_141 : i32 to index
      %get3A_143 = tpu.vector_load %arg6[%get3A_142] {strides = array<i32>} : memref<8192xf32, #tpu.memory_space<vmem>>, vector<16xf32>,
      %masked_sort3A_144 = arith.constant dense<true> : vector<16xi1>
      %masked_sort3A_145, %masked_sort3A_146, %masked_sort3A_147 = tpu.sort %get3A_143, %add3A_15 masked %masked_sort3A_144 {descending = true} : (vector<16xf32>, vector<16xi32>, vector<16xi1>) -> (vector<16xi1>, vector<16xf32>, vector<16xi32>)
      %add3A_148 = arith.constant 32 : i32
      %add3A_149 = arith.addi %mul3A_131, %add3A_148 : i32
      %get3A_150 = arith.index_cast %add3A_149 : i32 to index
      %get3A_151 = tpu.vector_load %arg6[%get3A_150] {strides = array<i32>} : memref<8192xf32, #tpu.memory_space<vmem>>, vector<16xf32>,
      %masked_sort3A_152 = arith.constant dense<true> : vector<16xi1>
      %masked_sort3A_153, %masked_sort3A_154, %masked_sort3A_155 = tpu.sort %get3A_151, %add3A_18 masked %masked_sort3A_152 {descending = true} : (vector<16xf32>, vector<16xi32>, vector<16xi1>) -> (vector<16xi1>, vector<16xf32>, vector<16xi32>)
      %add3A_156 = arith.constant 48 : i32
      %add3A_157 = arith.addi %mul3A_131, %add3A_156 : i32
      %get3A_158 = arith.index_cast %add3A_157 : i32 to index
      %get3A_159 = tpu.vector_load %arg6[%get3A_158] {strides = array<i32>} : memref<8192xf32, #tpu.memory_space<vmem>>, vector<16xf32>,
      %masked_sort3A_160 = arith.constant dense<true> : vector<16xi1>
      %masked_sort3A_161, %masked_sort3A_162, %masked_sort3A_163 = tpu.sort %get3A_159, %add3A_21 masked %masked_sort3A_160 {descending = true} : (vector<16xf32>, vector<16xi32>, vector<16xi1>) -> (vector<16xi1>, vector<16xf32>, vector<16xi32>)
      %broadcast_in_dim3A_164 = vector.shape_cast %max3A_32 : vector<16xi32> to vector<16x1xi32>
      %gather3A_165 = vector.shape_cast %broadcast_in_dim3A_164 : vector<16x1xi32> to vector<16xi32>
      %gather3A_166 = tpu.dynamic_gather %masked_sort3A_146[%gather3A_165] in [0] : vector<16xf32>, vector<16xi32> -> vector<16xf32>
      %broadcast_in_dim3A_167 = vector.shape_cast %max3A_32 : vector<16xi32> to vector<16x1xi32>
      %gather3A_168 = vector.shape_cast %broadcast_in_dim3A_167 : vector<16x1xi32> to vector<16xi32>
      %gather3A_169 = tpu.dynamic_gather %masked_sort3A_147[%gather3A_168] in [0] : vector<16xi32>, vector<16xi32> -> vector<16xi32>
      %ge3A_170 = arith.cmpf oge, %masked_sort3A_138, %gather3A_166 : vector<16xf32>
      %select_n3A_171 = arith.select %ge3A_170, %masked_sort3A_138, %gather3A_166 : vector<16xi1>, vector<16xf32>
      %select_n3A_172 = arith.select %ge3A_170, %masked_sort3A_139, %gather3A_169 : vector<16xi1>, vector<16xi32>
      %broadcast_in_dim3A_173 = vector.shape_cast %max3A_32 : vector<16xi32> to vector<16x1xi32>
      %gather3A_174 = vector.shape_cast %broadcast_in_dim3A_173 : vector<16x1xi32> to vector<16xi32>
      %gather3A_175 = tpu.dynamic_gather %masked_sort3A_162[%gather3A_174] in [0] : vector<16xf32>, vector<16xi32> -> vector<16xf32>
      %broadcast_in_dim3A_176 = vector.shape_cast %max3A_32 : vector<16xi32> to vector<16x1xi32>
      %gather3A_177 = vector.shape_cast %broadcast_in_dim3A_176 : vector<16x1xi32> to vector<16xi32>
      %gather3A_178 = tpu.dynamic_gather %masked_sort3A_163[%gather3A_177] in [0] : vector<16xi32>, vector<16xi32> -> vector<16xi32>
      %ge3A_179 = arith.cmpf oge, %masked_sort3A_154, %gather3A_175 : vector<16xf32>
      %select_n3A_180 = arith.select %ge3A_179, %masked_sort3A_154, %gather3A_175 : vector<16xi1>, vector<16xf32>
      %select_n3A_181 = arith.select %ge3A_179, %masked_sort3A_155, %gather3A_178 : vector<16xi1>, vector<16xi32>
      %broadcast_in_dim3A_182 = vector.shape_cast %max3A_38 : vector<16xi32> to vector<16x1xi32>
      %gather3A_183 = vector.shape_cast %broadcast_in_dim3A_182 : vector<16x1xi32> to vector<16xi32>
      %gather3A_184 = tpu.dynamic_gather %select_n3A_180[%gather3A_183] in [0] : vector<16xf32>, vector<16xi32> -> vector<16xf32>
      %select_n3A_185 = arith.select %lt3A_6, %select_n3A_171, %gather3A_184 : vector<16xi1>, vector<16xf32>
      %broadcast_in_dim3A_186 = vector.shape_cast %max3A_38 : vector<16xi32> to vector<16x1xi32>
      %gather3A_187 = vector.shape_cast %broadcast_in_dim3A_186 : vector<16x1xi32> to vector<16xi32>
      %gather3A_188 = tpu.dynamic_gather %select_n3A_181[%gather3A_187] in [0] : vector<16xi32>, vector<16xi32> -> vector<16xi32>
      %select_n3A_189 = arith.select %lt3A_6, %select_n3A_172, %gather3A_188 : vector<16xi1>, vector<16xi32>
      %masked_sort3A_190 = arith.constant dense<true> : vector<16xi1>
      %masked_sort3A_191, %masked_sort3A_192, %masked_sort3A_193 = tpu.sort %select_n3A_185, %select_n3A_189 masked %masked_sort3A_190 {descending = true} : (vector<16xf32>, vector<16xi32>, vector<16xi1>) -> (vector<16xi1>, vector<16xf32>, vector<16xi32>)
      %reduce_max3A_194 = arith.constant true
      %reduce_max3A_195 = vector.broadcast %reduce_max3A_194 : i1 to vector<16xi1>
      %reduce_max3A_196 = tpu.scan <max>, %masked_sort3A_192 masked %reduce_max3A_195 : vector<16xf32>, vector<16xi1> -> vector<16xf32>
      %reduce_max3A_197 = vector.extract %reduce_max3A_196[15] : f32 from vector<16xf32>
      %sub3A_198 = vector.broadcast %reduce_max3A_197 : f32 to vector<16xf32>
      %sub3A_199 = arith.subf %masked_sort3A_192, %sub3A_198 : vector<16xf32>
      %exp3A_200 = math.exp %sub3A_199 : vector<16xf32>
      %jit3A_201 = arith.constant 0.000000e+00 : f32
      %broadcast_in_dim3A_202 = vector.broadcast %jit3A_201 : f32 to vector<16xf32>
      %select_n3A_203 = arith.select %lt3A_6, %exp3A_200, %broadcast_in_dim3A_202 : vector<16xi1>, vector<16xf32>
      %reduce_sum3A_204 = arith.constant true
      %reduce_sum3A_205 = vector.broadcast %reduce_sum3A_204 : i1 to vector<16xi1>
      %reduce_sum3A_206 = tpu.scan <sum>, %select_n3A_203 masked %reduce_sum3A_205 : vector<16xf32>, vector<16xi1> -> vector<16xf32>
      %reduce_sum3A_207 = vector.extract %reduce_sum3A_206[15] : f32 from vector<16xf32>
      %div3A_208 = vector.broadcast %reduce_sum3A_207 : f32 to vector<16xf32>
      %div3A_209 = arith.divf %select_n3A_203, %div3A_208 : vector<16xf32>
      %mul3A_210 = arith.constant 8 : i32
      %mul3A_211 = arith.muli %add3A_129, %mul3A_210 : i32
      %add3A_212 = vector.broadcast %mul3A_211 : i32 to vector<16xi32>
      %add3A_213 = arith.addi %add3A_212, %iota3A : vector<16xi32>
      tpu.vector_store_idx %arg7[%add3A_213], %div3A_209 masked %lt3A_6 : memref<1024xf32, #tpu.memory_space<vmem>>[vector<16xi32>], vector<16xf32>, vector<16xi1>
      tpu.vector_store_idx %arg8[%add3A_213], %masked_sort3A_193 masked %lt3A_6 : memref<1024xi32, #tpu.memory_space<vmem>>[vector<16xi32>], vector<16xi32>, vector<16xi1>
      tpu.vector_store_idx %arg9[%masked_sort3A_193], %broadcast_in_dim3A_7 masked %lt3A_6 {add = true} : memref<64xf32, #tpu.memory_space<vmem>>[vector<16xi32>], vector<16xf32>, vector<16xi1>
      %add3A_214 = arith.constant 2 : i32
      %add3A_215 = arith.addi %mul3A_51, %add3A_214 : i32
      %mul3A_216 = arith.constant 64 : i32
      %mul3A_217 = arith.muli %add3A_215, %mul3A_216 : i32
      %add3A_218 = arith.constant 0 : i32
      %add3A_219 = arith.addi %mul3A_217, %add3A_218 : i32
      %get3A_220 = arith.index_cast %add3A_219 : i32 to index
      %get3A_221 = tpu.vector_load %arg6[%get3A_220] {strides = array<i32>} : memref<8192xf32, #tpu.memory_space<vmem>>, vector<16xf32>,
      %masked_sort3A_222 = arith.constant dense<true> : vector<16xi1>
      %masked_sort3A_223, %masked_sort3A_224, %masked_sort3A_225 = tpu.sort %get3A_221, %add3A_12 masked %masked_sort3A_222 {descending = true} : (vector<16xf32>, vector<16xi32>, vector<16xi1>) -> (vector<16xi1>, vector<16xf32>, vector<16xi32>)
      %add3A_226 = arith.constant 16 : i32
      %add3A_227 = arith.addi %mul3A_217, %add3A_226 : i32
      %get3A_228 = arith.index_cast %add3A_227 : i32 to index
      %get3A_229 = tpu.vector_load %arg6[%get3A_228] {strides = array<i32>} : memref<8192xf32, #tpu.memory_space<vmem>>, vector<16xf32>,
      %masked_sort3A_230 = arith.constant dense<true> : vector<16xi1>
      %masked_sort3A_231, %masked_sort3A_232, %masked_sort3A_233 = tpu.sort %get3A_229, %add3A_15 masked %masked_sort3A_230 {descending = true} : (vector<16xf32>, vector<16xi32>, vector<16xi1>) -> (vector<16xi1>, vector<16xf32>, vector<16xi32>)
      %add3A_234 = arith.constant 32 : i32
      %add3A_235 = arith.addi %mul3A_217, %add3A_234 : i32
      %get3A_236 = arith.index_cast %add3A_235 : i32 to index
      %get3A_237 = tpu.vector_load %arg6[%get3A_236] {strides = array<i32>} : memref<8192xf32, #tpu.memory_space<vmem>>, vector<16xf32>,
      %masked_sort3A_238 = arith.constant dense<true> : vector<16xi1>
      %masked_sort3A_239, %masked_sort3A_240, %masked_sort3A_241 = tpu.sort %get3A_237, %add3A_18 masked %masked_sort3A_238 {descending = true} : (vector<16xf32>, vector<16xi32>, vector<16xi1>) -> (vector<16xi1>, vector<16xf32>, vector<16xi32>)
      %add3A_242 = arith.constant 48 : i32
      %add3A_243 = arith.addi %mul3A_217, %add3A_242 : i32
      %get3A_244 = arith.index_cast %add3A_243 : i32 to index
      %get3A_245 = tpu.vector_load %arg6[%get3A_244] {strides = array<i32>} : memref<8192xf32, #tpu.memory_space<vmem>>, vector<16xf32>,
      %masked_sort3A_246 = arith.constant dense<true> : vector<16xi1>
      %masked_sort3A_247, %masked_sort3A_248, %masked_sort3A_249 = tpu.sort %get3A_245, %add3A_21 masked %masked_sort3A_246 {descending = true} : (vector<16xf32>, vector<16xi32>, vector<16xi1>) -> (vector<16xi1>, vector<16xf32>, vector<16xi32>)
      %broadcast_in_dim3A_250 = vector.shape_cast %max3A_32 : vector<16xi32> to vector<16x1xi32>
      %gather3A_251 = vector.shape_cast %broadcast_in_dim3A_250 : vector<16x1xi32> to vector<16xi32>
      %gather3A_252 = tpu.dynamic_gather %masked_sort3A_232[%gather3A_251] in [0] : vector<16xf32>, vector<16xi32> -> vector<16xf32>
      %broadcast_in_dim3A_253 = vector.shape_cast %max3A_32 : vector<16xi32> to vector<16x1xi32>
      %gather3A_254 = vector.shape_cast %broadcast_in_dim3A_253 : vector<16x1xi32> to vector<16xi32>
      %gather3A_255 = tpu.dynamic_gather %masked_sort3A_233[%gather3A_254] in [0] : vector<16xi32>, vector<16xi32> -> vector<16xi32>
      %ge3A_256 = arith.cmpf oge, %masked_sort3A_224, %gather3A_252 : vector<16xf32>
      %select_n3A_257 = arith.select %ge3A_256, %masked_sort3A_224, %gather3A_252 : vector<16xi1>, vector<16xf32>
      %select_n3A_258 = arith.select %ge3A_256, %masked_sort3A_225, %gather3A_255 : vector<16xi1>, vector<16xi32>
      %broadcast_in_dim3A_259 = vector.shape_cast %max3A_32 : vector<16xi32> to vector<16x1xi32>
      %gather3A_260 = vector.shape_cast %broadcast_in_dim3A_259 : vector<16x1xi32> to vector<16xi32>
      %gather3A_261 = tpu.dynamic_gather %masked_sort3A_248[%gather3A_260] in [0] : vector<16xf32>, vector<16xi32> -> vector<16xf32>
      %broadcast_in_dim3A_262 = vector.shape_cast %max3A_32 : vector<16xi32> to vector<16x1xi32>
      %gather3A_263 = vector.shape_cast %broadcast_in_dim3A_262 : vector<16x1xi32> to vector<16xi32>
      %gather3A_264 = tpu.dynamic_gather %masked_sort3A_249[%gather3A_263] in [0] : vector<16xi32>, vector<16xi32> -> vector<16xi32>
      %ge3A_265 = arith.cmpf oge, %masked_sort3A_240, %gather3A_261 : vector<16xf32>
      %select_n3A_266 = arith.select %ge3A_265, %masked_sort3A_240, %gather3A_261 : vector<16xi1>, vector<16xf32>
      %select_n3A_267 = arith.select %ge3A_265, %masked_sort3A_241, %gather3A_264 : vector<16xi1>, vector<16xi32>
      %broadcast_in_dim3A_268 = vector.shape_cast %max3A_38 : vector<16xi32> to vector<16x1xi32>
      %gather3A_269 = vector.shape_cast %broadcast_in_dim3A_268 : vector<16x1xi32> to vector<16xi32>
      %gather3A_270 = tpu.dynamic_gather %select_n3A_266[%gather3A_269] in [0] : vector<16xf32>, vector<16xi32> -> vector<16xf32>
      %select_n3A_271 = arith.select %lt3A_6, %select_n3A_257, %gather3A_270 : vector<16xi1>, vector<16xf32>
      %broadcast_in_dim3A_272 = vector.shape_cast %max3A_38 : vector<16xi32> to vector<16x1xi32>
      %gather3A_273 = vector.shape_cast %broadcast_in_dim3A_272 : vector<16x1xi32> to vector<16xi32>
      %gather3A_274 = tpu.dynamic_gather %select_n3A_267[%gather3A_273] in [0] : vector<16xi32>, vector<16xi32> -> vector<16xi32>
      %select_n3A_275 = arith.select %lt3A_6, %select_n3A_258, %gather3A_274 : vector<16xi1>, vector<16xi32>
      %masked_sort3A_276 = arith.constant dense<true> : vector<16xi1>
      %masked_sort3A_277, %masked_sort3A_278, %masked_sort3A_279 = tpu.sort %select_n3A_271, %select_n3A_275 masked %masked_sort3A_276 {descending = true} : (vector<16xf32>, vector<16xi32>, vector<16xi1>) -> (vector<16xi1>, vector<16xf32>, vector<16xi32>)
      %reduce_max3A_280 = arith.constant true
      %reduce_max3A_281 = vector.broadcast %reduce_max3A_280 : i1 to vector<16xi1>
      %reduce_max3A_282 = tpu.scan <max>, %masked_sort3A_278 masked %reduce_max3A_281 : vector<16xf32>, vector<16xi1> -> vector<16xf32>
      %reduce_max3A_283 = vector.extract %reduce_max3A_282[15] : f32 from vector<16xf32>
      %sub3A_284 = vector.broadcast %reduce_max3A_283 : f32 to vector<16xf32>
      %sub3A_285 = arith.subf %masked_sort3A_278, %sub3A_284 : vector<16xf32>
      %exp3A_286 = math.exp %sub3A_285 : vector<16xf32>
      %jit3A_287 = arith.constant 0.000000e+00 : f32
      %broadcast_in_dim3A_288 = vector.broadcast %jit3A_287 : f32 to vector<16xf32>
      %select_n3A_289 = arith.select %lt3A_6, %exp3A_286, %broadcast_in_dim3A_288 : vector<16xi1>, vector<16xf32>
      %reduce_sum3A_290 = arith.constant true
      %reduce_sum3A_291 = vector.broadcast %reduce_sum3A_290 : i1 to vector<16xi1>
      %reduce_sum3A_292 = tpu.scan <sum>, %select_n3A_289 masked %reduce_sum3A_291 : vector<16xf32>, vector<16xi1> -> vector<16xf32>
      %reduce_sum3A_293 = vector.extract %reduce_sum3A_292[15] : f32 from vector<16xf32>
      %div3A_294 = vector.broadcast %reduce_sum3A_293 : f32 to vector<16xf32>
      %div3A_295 = arith.divf %select_n3A_289, %div3A_294 : vector<16xf32>
      %mul3A_296 = arith.constant 8 : i32
      %mul3A_297 = arith.muli %add3A_215, %mul3A_296 : i32
      %add3A_298 = vector.broadcast %mul3A_297 : i32 to vector<16xi32>
      %add3A_299 = arith.addi %add3A_298, %iota3A : vector<16xi32>
      tpu.vector_store_idx %arg7[%add3A_299], %div3A_295 masked %lt3A_6 : memref<1024xf32, #tpu.memory_space<vmem>>[vector<16xi32>], vector<16xf32>, vector<16xi1>
      tpu.vector_store_idx %arg8[%add3A_299], %masked_sort3A_279 masked %lt3A_6 : memref<1024xi32, #tpu.memory_space<vmem>>[vector<16xi32>], vector<16xi32>, vector<16xi1>
      tpu.vector_store_idx %arg9[%masked_sort3A_279], %broadcast_in_dim3A_7 masked %lt3A_6 {add = true} : memref<64xf32, #tpu.memory_space<vmem>>[vector<16xi32>], vector<16xf32>, vector<16xi1>
      %add3A_300 = arith.constant 3 : i32
      %add3A_301 = arith.addi %mul3A_51, %add3A_300 : i32
      %mul3A_302 = arith.constant 64 : i32
      %mul3A_303 = arith.muli %add3A_301, %mul3A_302 : i32
      %add3A_304 = arith.constant 0 : i32
      %add3A_305 = arith.addi %mul3A_303, %add3A_304 : i32
      %get3A_306 = arith.index_cast %add3A_305 : i32 to index
      %get3A_307 = tpu.vector_load %arg6[%get3A_306] {strides = array<i32>} : memref<8192xf32, #tpu.memory_space<vmem>>, vector<16xf32>,
      %masked_sort3A_308 = arith.constant dense<true> : vector<16xi1>
      %masked_sort3A_309, %masked_sort3A_310, %masked_sort3A_311 = tpu.sort %get3A_307, %add3A_12 masked %masked_sort3A_308 {descending = true} : (vector<16xf32>, vector<16xi32>, vector<16xi1>) -> (vector<16xi1>, vector<16xf32>, vector<16xi32>)
      %add3A_312 = arith.constant 16 : i32
      %add3A_313 = arith.addi %mul3A_303, %add3A_312 : i32
      %get3A_314 = arith.index_cast %add3A_313 : i32 to index
      %get3A_315 = tpu.vector_load %arg6[%get3A_314] {strides = array<i32>} : memref<8192xf32, #tpu.memory_space<vmem>>, vector<16xf32>,
      %masked_sort3A_316 = arith.constant dense<true> : vector<16xi1>
      %masked_sort3A_317, %masked_sort3A_318, %masked_sort3A_319 = tpu.sort %get3A_315, %add3A_15 masked %masked_sort3A_316 {descending = true} : (vector<16xf32>, vector<16xi32>, vector<16xi1>) -> (vector<16xi1>, vector<16xf32>, vector<16xi32>)
      %add3A_320 = arith.constant 32 : i32
      %add3A_321 = arith.addi %mul3A_303, %add3A_320 : i32
      %get3A_322 = arith.index_cast %add3A_321 : i32 to index
      %get3A_323 = tpu.vector_load %arg6[%get3A_322] {strides = array<i32>} : memref<8192xf32, #tpu.memory_space<vmem>>, vector<16xf32>,
      %masked_sort3A_324 = arith.constant dense<true> : vector<16xi1>
      %masked_sort3A_325, %masked_sort3A_326, %masked_sort3A_327 = tpu.sort %get3A_323, %add3A_18 masked %masked_sort3A_324 {descending = true} : (vector<16xf32>, vector<16xi32>, vector<16xi1>) -> (vector<16xi1>, vector<16xf32>, vector<16xi32>)
      %add3A_328 = arith.constant 48 : i32
      %add3A_329 = arith.addi %mul3A_303, %add3A_328 : i32
      %get3A_330 = arith.index_cast %add3A_329 : i32 to index
      %get3A_331 = tpu.vector_load %arg6[%get3A_330] {strides = array<i32>} : memref<8192xf32, #tpu.memory_space<vmem>>, vector<16xf32>,
      %masked_sort3A_332 = arith.constant dense<true> : vector<16xi1>
      %masked_sort3A_333, %masked_sort3A_334, %masked_sort3A_335 = tpu.sort %get3A_331, %add3A_21 masked %masked_sort3A_332 {descending = true} : (vector<16xf32>, vector<16xi32>, vector<16xi1>) -> (vector<16xi1>, vector<16xf32>, vector<16xi32>)
      %broadcast_in_dim3A_336 = vector.shape_cast %max3A_32 : vector<16xi32> to vector<16x1xi32>
      %gather3A_337 = vector.shape_cast %broadcast_in_dim3A_336 : vector<16x1xi32> to vector<16xi32>
      %gather3A_338 = tpu.dynamic_gather %masked_sort3A_318[%gather3A_337] in [0] : vector<16xf32>, vector<16xi32> -> vector<16xf32>
      %broadcast_in_dim3A_339 = vector.shape_cast %max3A_32 : vector<16xi32> to vector<16x1xi32>
      %gather3A_340 = vector.shape_cast %broadcast_in_dim3A_339 : vector<16x1xi32> to vector<16xi32>
      %gather3A_341 = tpu.dynamic_gather %masked_sort3A_319[%gather3A_340] in [0] : vector<16xi32>, vector<16xi32> -> vector<16xi32>
      %ge3A_342 = arith.cmpf oge, %masked_sort3A_310, %gather3A_338 : vector<16xf32>
      %select_n3A_343 = arith.select %ge3A_342, %masked_sort3A_310, %gather3A_338 : vector<16xi1>, vector<16xf32>
      %select_n3A_344 = arith.select %ge3A_342, %masked_sort3A_311, %gather3A_341 : vector<16xi1>, vector<16xi32>
      %broadcast_in_dim3A_345 = vector.shape_cast %max3A_32 : vector<16xi32> to vector<16x1xi32>
      %gather3A_346 = vector.shape_cast %broadcast_in_dim3A_345 : vector<16x1xi32> to vector<16xi32>
      %gather3A_347 = tpu.dynamic_gather %masked_sort3A_334[%gather3A_346] in [0] : vector<16xf32>, vector<16xi32> -> vector<16xf32>
      %broadcast_in_dim3A_348 = vector.shape_cast %max3A_32 : vector<16xi32> to vector<16x1xi32>
      %gather3A_349 = vector.shape_cast %broadcast_in_dim3A_348 : vector<16x1xi32> to vector<16xi32>
      %gather3A_350 = tpu.dynamic_gather %masked_sort3A_335[%gather3A_349] in [0] : vector<16xi32>, vector<16xi32> -> vector<16xi32>
      %ge3A_351 = arith.cmpf oge, %masked_sort3A_326, %gather3A_347 : vector<16xf32>
      %select_n3A_352 = arith.select %ge3A_351, %masked_sort3A_326, %gather3A_347 : vector<16xi1>, vector<16xf32>
      %select_n3A_353 = arith.select %ge3A_351, %masked_sort3A_327, %gather3A_350 : vector<16xi1>, vector<16xi32>
      %broadcast_in_dim3A_354 = vector.shape_cast %max3A_38 : vector<16xi32> to vector<16x1xi32>
      %gather3A_355 = vector.shape_cast %broadcast_in_dim3A_354 : vector<16x1xi32> to vector<16xi32>
      %gather3A_356 = tpu.dynamic_gather %select_n3A_352[%gather3A_355] in [0] : vector<16xf32>, vector<16xi32> -> vector<16xf32>
      %select_n3A_357 = arith.select %lt3A_6, %select_n3A_343, %gather3A_356 : vector<16xi1>, vector<16xf32>
      %broadcast_in_dim3A_358 = vector.shape_cast %max3A_38 : vector<16xi32> to vector<16x1xi32>
      %gather3A_359 = vector.shape_cast %broadcast_in_dim3A_358 : vector<16x1xi32> to vector<16xi32>
      %gather3A_360 = tpu.dynamic_gather %select_n3A_353[%gather3A_359] in [0] : vector<16xi32>, vector<16xi32> -> vector<16xi32>
      %select_n3A_361 = arith.select %lt3A_6, %select_n3A_344, %gather3A_360 : vector<16xi1>, vector<16xi32>
      %masked_sort3A_362 = arith.constant dense<true> : vector<16xi1>
      %masked_sort3A_363, %masked_sort3A_364, %masked_sort3A_365 = tpu.sort %select_n3A_357, %select_n3A_361 masked %masked_sort3A_362 {descending = true} : (vector<16xf32>, vector<16xi32>, vector<16xi1>) -> (vector<16xi1>, vector<16xf32>, vector<16xi32>)
      %reduce_max3A_366 = arith.constant true
      %reduce_max3A_367 = vector.broadcast %reduce_max3A_366 : i1 to vector<16xi1>
      %reduce_max3A_368 = tpu.scan <max>, %masked_sort3A_364 masked %reduce_max3A_367 : vector<16xf32>, vector<16xi1> -> vector<16xf32>
      %reduce_max3A_369 = vector.extract %reduce_max3A_368[15] : f32 from vector<16xf32>
      %sub3A_370 = vector.broadcast %reduce_max3A_369 : f32 to vector<16xf32>
      %sub3A_371 = arith.subf %masked_sort3A_364, %sub3A_370 : vector<16xf32>
      %exp3A_372 = math.exp %sub3A_371 : vector<16xf32>
      %jit3A_373 = arith.constant 0.000000e+00 : f32
      %broadcast_in_dim3A_374 = vector.broadcast %jit3A_373 : f32 to vector<16xf32>
      %select_n3A_375 = arith.select %lt3A_6, %exp3A_372, %broadcast_in_dim3A_374 : vector<16xi1>, vector<16xf32>
      %reduce_sum3A_376 = arith.constant true
      %reduce_sum3A_377 = vector.broadcast %reduce_sum3A_376 : i1 to vector<16xi1>
      %reduce_sum3A_378 = tpu.scan <sum>, %select_n3A_375 masked %reduce_sum3A_377 : vector<16xf32>, vector<16xi1> -> vector<16xf32>
      %reduce_sum3A_379 = vector.extract %reduce_sum3A_378[15] : f32 from vector<16xf32>
      %div3A_380 = vector.broadcast %reduce_sum3A_379 : f32 to vector<16xf32>
      %div3A_381 = arith.divf %select_n3A_375, %div3A_380 : vector<16xf32>
      %mul3A_382 = arith.constant 8 : i32
      %mul3A_383 = arith.muli %add3A_301, %mul3A_382 : i32
      %add3A_384 = vector.broadcast %mul3A_383 : i32 to vector<16xi32>
      %add3A_385 = arith.addi %add3A_384, %iota3A : vector<16xi32>
      tpu.vector_store_idx %arg7[%add3A_385], %div3A_381 masked %lt3A_6 : memref<1024xf32, #tpu.memory_space<vmem>>[vector<16xi32>], vector<16xf32>, vector<16xi1>
      tpu.vector_store_idx %arg8[%add3A_385], %masked_sort3A_365 masked %lt3A_6 : memref<1024xi32, #tpu.memory_space<vmem>>[vector<16xi32>], vector<16xi32>, vector<16xi1>
      tpu.vector_store_idx %arg9[%masked_sort3A_365], %broadcast_in_dim3A_7 masked %lt3A_6 {add = true} : memref<64xf32, #tpu.memory_space<vmem>>[vector<16xi32>], vector<16xf32>, vector<16xi1>
    }
    %scan3A_42 = arith.constant 32 : i32
    %mul3A_43 = arith.constant 8 : i32
    %mul3A_44 = arith.muli %mul3A_2, %mul3A_43 : i32
    "tpu.region"() ({
      %run_scoped3A = tpu.sem_alloc : memref<!tpu.dma_semaphore, #tpu.memory_space<semaphore_mem>>
      %dma_start3A = tpu.memref_slice %arg3[%mul3A_44] : memref<32768xf32, #tpu.memory_space<hbm>> -> memref<1024xf32, #tpu.memory_space<hbm>>
      %dma_start3A_49 = tpu.memref_slice %arg3[%mul3A_44] : memref<32768xf32, #tpu.memory_space<hbm>> -> memref<1024xf32, #tpu.memory_space<hbm>>
      tpu.enqueue_dma source(%arg7 : memref<1024xf32, #tpu.memory_space<vmem>>) target(%dma_start3A_49 : memref<1024xf32, #tpu.memory_space<hbm>>) target_semaphore(%run_scoped3A : memref<!tpu.dma_semaphore, #tpu.memory_space<semaphore_mem>>)
      %dma_wait3A = tpu.memref_slice %arg3[%mul3A_44] : memref<32768xf32, #tpu.memory_space<hbm>> -> memref<1024xf32, #tpu.memory_space<hbm>>
      %dma_wait3A_50 = tpu.memref_slice %arg3[%mul3A_44] : memref<32768xf32, #tpu.memory_space<hbm>> -> memref<1024xf32, #tpu.memory_space<hbm>>
      tpu.wait_dma2 semaphore(%run_scoped3A : memref<!tpu.dma_semaphore, #tpu.memory_space<semaphore_mem>>) src(%arg7 : memref<1024xf32, #tpu.memory_space<vmem>>) dst(%dma_wait3A_50 : memref<1024xf32, #tpu.memory_space<hbm>>)
      tpu.yield
    }) : () -> ()
    %mul3A_45 = arith.constant 8 : i32
    %mul3A_46 = arith.muli %mul3A_2, %mul3A_45 : i32
    "tpu.region"() ({
      %run_scoped3A = tpu.sem_alloc : memref<!tpu.dma_semaphore, #tpu.memory_space<semaphore_mem>>
      %dma_start3A = tpu.memref_slice %arg4[%mul3A_46] : memref<32768xi32, #tpu.memory_space<hbm>> -> memref<1024xi32, #tpu.memory_space<hbm>>
      %dma_start3A_49 = tpu.memref_slice %arg4[%mul3A_46] : memref<32768xi32, #tpu.memory_space<hbm>> -> memref<1024xi32, #tpu.memory_space<hbm>>
      tpu.enqueue_dma source(%arg8 : memref<1024xi32, #tpu.memory_space<vmem>>) target(%dma_start3A_49 : memref<1024xi32, #tpu.memory_space<hbm>>) target_semaphore(%run_scoped3A : memref<!tpu.dma_semaphore, #tpu.memory_space<semaphore_mem>>)
      %dma_wait3A = tpu.memref_slice %arg4[%mul3A_46] : memref<32768xi32, #tpu.memory_space<hbm>> -> memref<1024xi32, #tpu.memory_space<hbm>>
      %dma_wait3A_50 = tpu.memref_slice %arg4[%mul3A_46] : memref<32768xi32, #tpu.memory_space<hbm>> -> memref<1024xi32, #tpu.memory_space<hbm>>
      tpu.wait_dma2 semaphore(%run_scoped3A : memref<!tpu.dma_semaphore, #tpu.memory_space<semaphore_mem>>) src(%arg8 : memref<1024xi32, #tpu.memory_space<vmem>>) dst(%dma_wait3A_50 : memref<1024xi32, #tpu.memory_space<hbm>>)
      tpu.yield
    }) : () -> ()
    %mul3A_47 = arith.constant 64 : i32
    %mul3A_48 = arith.muli %add3A, %mul3A_47 : i32
    "tpu.region"() ({
      %run_scoped3A = tpu.sem_alloc : memref<!tpu.dma_semaphore, #tpu.memory_space<semaphore_mem>>
      %dma_start3A = tpu.memref_slice %arg5[%mul3A_48] : memref<2048xf32, #tpu.memory_space<hbm>> -> memref<64xf32, #tpu.memory_space<hbm>>
      %dma_start3A_49 = tpu.memref_slice %arg5[%mul3A_48] : memref<2048xf32, #tpu.memory_space<hbm>> -> memref<64xf32, #tpu.memory_space<hbm>>
      tpu.enqueue_dma source(%arg9 : memref<64xf32, #tpu.memory_space<vmem>>) target(%dma_start3A_49 : memref<64xf32, #tpu.memory_space<hbm>>) target_semaphore(%run_scoped3A : memref<!tpu.dma_semaphore, #tpu.memory_space<semaphore_mem>>)
      %dma_wait3A = tpu.memref_slice %arg5[%mul3A_48] : memref<2048xf32, #tpu.memory_space<hbm>> -> memref<64xf32, #tpu.memory_space<hbm>>
      %dma_wait3A_50 = tpu.memref_slice %arg5[%mul3A_48] : memref<2048xf32, #tpu.memory_space<hbm>> -> memref<64xf32, #tpu.memory_space<hbm>>
      tpu.wait_dma2 semaphore(%run_scoped3A : memref<!tpu.dma_semaphore, #tpu.memory_space<semaphore_mem>>) src(%arg9 : memref<64xf32, #tpu.memory_space<vmem>>) dst(%dma_wait3A_50 : memref<64xf32, #tpu.memory_space<hbm>>)
      tpu.yield
    }) : () -> ()
    return
  }
}

module attributes {stable_mosaic.version = 14 : i64} {
  func.func @_tc_router_body(%arg0: i32, %arg1: memref<64x4096xf32, #tpu.memory_space<vmem>>, %arg2: memref<64x4096xf32, #tpu.memory_space<vmem>>, %arg3: memref<8x4096xf32, #tpu.memory_space<vmem>>, %arg4: memref<8x4096xi32, #tpu.memory_space<vmem>>, %arg5: memref<64xf32, #tpu.memory_space<vmem>>) attributes {dimension_semantics = [#tpu.dimension_semantics<arbitrary>], iteration_bounds = array<i64: 8>, scalar_prefetch = 0 : i64, scratch_operands = 0 : i64, tpu.core_type = #tpu.core_type<tc>, window_params = [{transform_indices = @transform_0, window_bounds = array<i64: 64, 4096>}, {transform_indices = @transform_1, window_bounds = array<i64: 64, 4096>}, {transform_indices = @transform_2, window_bounds = array<i64: 8, 4096>}, {transform_indices = @transform_3, window_bounds = array<i64: 8, 4096>}, {pipeline_mode = #tpu.pipeline_mode<synchronous>, transform_indices = @transform_4, window_bounds = array<i64: 64>}]} {
    %get3A = arith.constant 0 : index
    %get3A_0 = arith.constant 0 : index
    %get3A_1 = vector.load %arg1[%get3A, %get3A_0] : memref<64x4096xf32, #tpu.memory_space<vmem>>, vector<64x4096xf32>
    %swap3A = arith.constant 0 : index
    %swap3A_2 = arith.constant 0 : index
    %swap3A_3 = vector.load %arg2[%swap3A, %swap3A_2] : memref<64x4096xf32, #tpu.memory_space<vmem>>, vector<64x4096xf32>
    tpu.vector_store %arg2[%swap3A, %swap3A_2], %get3A_1 {strides = array<i32>} : memref<64x4096xf32, #tpu.memory_space<vmem>>, vector<64x4096xf32>,
    %eq3A = arith.constant 0 : i32
    %eq3A_4 = arith.cmpi eq, %arg0, %eq3A : i32
    %convert_element_type3A = arith.extui %eq3A_4 : i1 to i32
    %cond3A = arith.constant 0 : i32
    %cond3A_5 = arith.cmpi ne, %convert_element_type3A, %cond3A : i32
    scf.if %cond3A_5 {
      %broadcast_in_dim3A = arith.constant 0.000000e+00 : f32
      %broadcast_in_dim3A_10 = vector.broadcast %broadcast_in_dim3A : f32 to vector<64xf32>
      %swap3A_11 = arith.constant 0 : index
      %swap3A_12 = vector.load %arg5[%swap3A_11] : memref<64xf32, #tpu.memory_space<vmem>>, vector<64xf32>
      tpu.vector_store %arg5[%swap3A_11], %broadcast_in_dim3A_10 {strides = array<i32>} : memref<64xf32, #tpu.memory_space<vmem>>, vector<64xf32>,
    } else {
    }
    %lt3A = arith.constant 7 : i32
    %lt3A_6 = arith.cmpi slt, %arg0, %lt3A : i32
    %convert_element_type3A_7 = arith.extui %lt3A_6 : i1 to i32
    %cond3A_8 = arith.constant 0 : i32
    %cond3A_9 = arith.cmpi ne, %convert_element_type3A_7, %cond3A_8 : i32
    scf.if %cond3A_9 {
      %iota3A = tpu.iota {dimensions = array<i32: 0>} : vector<64x4096xi32>
      %bitcast_convert_type3A = tpu.bitcast %get3A_1 : vector<64x4096xf32> -> vector<64x4096xi32>
      %lt3A_10 = arith.constant 0 : i32
      %lt3A_11 = vector.broadcast %lt3A_10 : i32 to vector<64x4096xi32>
      %lt3A_12 = arith.cmpi slt, %bitcast_convert_type3A, %lt3A_11 : vector<64x4096xi32>
      %sub3A = arith.constant 63 : i32
      %sub3A_13 = vector.broadcast %sub3A : i32 to vector<64x4096xi32>
      %sub3A_14 = arith.subi %sub3A_13, %iota3A : vector<64x4096xi32>
      %select_n3A = arith.select %lt3A_12, %iota3A, %sub3A_14 : vector<64x4096xi1>, vector<64x4096xi32>
      %and3A = arith.constant -64 : i32
      %and3A_15 = vector.broadcast %and3A : i32 to vector<64x4096xi32>
      %and3A_16 = arith.andi %bitcast_convert_type3A, %and3A_15 : vector<64x4096xi32>
      %or3A = arith.ori %and3A_16, %select_n3A : vector<64x4096xi32>
      %bitcast_convert_type3A_17 = tpu.bitcast %or3A : vector<64x4096xi32> -> vector<64x4096xf32>
      %reduce_max3A = arith.constant dense<0xFF800000> : vector<4096xf32>
      %reduce_max3A_18 = vector.multi_reduction <maximumf>, %bitcast_convert_type3A_17, %reduce_max3A [0] : vector<64x4096xf32> to vector<4096xf32>
      %broadcast_in_dim3A = vector.shape_cast %reduce_max3A_18 : vector<4096xf32> to vector<1x4096xf32>
      %eq3A_19 = vector.broadcast %broadcast_in_dim3A : vector<1x4096xf32> to vector<64x4096xf32>
      %eq3A_20 = arith.cmpf oeq, %bitcast_convert_type3A_17, %eq3A_19 : vector<64x4096xf32>
      %jit3A = arith.constant 0xFF800000 : f32
      %broadcast_in_dim3A_21 = vector.broadcast %jit3A : f32 to vector<64x4096xf32>
      %select_n3A_22 = arith.select %eq3A_20, %broadcast_in_dim3A_21, %bitcast_convert_type3A_17 : vector<64x4096xi1>, vector<64x4096xf32>
      %reduce_max3A_23 = arith.constant dense<0xFF800000> : vector<4096xf32>
      %reduce_max3A_24 = vector.multi_reduction <maximumf>, %select_n3A_22, %reduce_max3A_23 [0] : vector<64x4096xf32> to vector<4096xf32>
      %broadcast_in_dim3A_25 = vector.shape_cast %reduce_max3A_24 : vector<4096xf32> to vector<1x4096xf32>
      %eq3A_26 = vector.broadcast %broadcast_in_dim3A_25 : vector<1x4096xf32> to vector<64x4096xf32>
      %eq3A_27 = arith.cmpf oeq, %select_n3A_22, %eq3A_26 : vector<64x4096xf32>
      %jit3A_28 = arith.constant 0xFF800000 : f32
      %broadcast_in_dim3A_29 = vector.broadcast %jit3A_28 : f32 to vector<64x4096xf32>
      %select_n3A_30 = arith.select %eq3A_27, %broadcast_in_dim3A_29, %select_n3A_22 : vector<64x4096xi1>, vector<64x4096xf32>
      %reduce_max3A_31 = arith.constant dense<0xFF800000> : vector<4096xf32>
      %reduce_max3A_32 = vector.multi_reduction <maximumf>, %select_n3A_30, %reduce_max3A_31 [0] : vector<64x4096xf32> to vector<4096xf32>
      %broadcast_in_dim3A_33 = vector.shape_cast %reduce_max3A_32 : vector<4096xf32> to vector<1x4096xf32>
      %eq3A_34 = vector.broadcast %broadcast_in_dim3A_33 : vector<1x4096xf32> to vector<64x4096xf32>
      %eq3A_35 = arith.cmpf oeq, %select_n3A_30, %eq3A_34 : vector<64x4096xf32>
      %jit3A_36 = arith.constant 0xFF800000 : f32
      %broadcast_in_dim3A_37 = vector.broadcast %jit3A_36 : f32 to vector<64x4096xf32>
      %select_n3A_38 = arith.select %eq3A_35, %broadcast_in_dim3A_37, %select_n3A_30 : vector<64x4096xi1>, vector<64x4096xf32>
      %reduce_max3A_39 = arith.constant dense<0xFF800000> : vector<4096xf32>
      %reduce_max3A_40 = vector.multi_reduction <maximumf>, %select_n3A_38, %reduce_max3A_39 [0] : vector<64x4096xf32> to vector<4096xf32>
      %broadcast_in_dim3A_41 = vector.shape_cast %reduce_max3A_40 : vector<4096xf32> to vector<1x4096xf32>
      %eq3A_42 = vector.broadcast %broadcast_in_dim3A_41 : vector<1x4096xf32> to vector<64x4096xf32>
      %eq3A_43 = arith.cmpf oeq, %select_n3A_38, %eq3A_42 : vector<64x4096xf32>
      %jit3A_44 = arith.constant 0xFF800000 : f32
      %broadcast_in_dim3A_45 = vector.broadcast %jit3A_44 : f32 to vector<64x4096xf32>
      %select_n3A_46 = arith.select %eq3A_43, %broadcast_in_dim3A_45, %select_n3A_38 : vector<64x4096xi1>, vector<64x4096xf32>
      %reduce_max3A_47 = arith.constant dense<0xFF800000> : vector<4096xf32>
      %reduce_max3A_48 = vector.multi_reduction <maximumf>, %select_n3A_46, %reduce_max3A_47 [0] : vector<64x4096xf32> to vector<4096xf32>
      %broadcast_in_dim3A_49 = vector.shape_cast %reduce_max3A_48 : vector<4096xf32> to vector<1x4096xf32>
      %eq3A_50 = vector.broadcast %broadcast_in_dim3A_49 : vector<1x4096xf32> to vector<64x4096xf32>
      %eq3A_51 = arith.cmpf oeq, %select_n3A_46, %eq3A_50 : vector<64x4096xf32>
      %jit3A_52 = arith.constant 0xFF800000 : f32
      %broadcast_in_dim3A_53 = vector.broadcast %jit3A_52 : f32 to vector<64x4096xf32>
      %select_n3A_54 = arith.select %eq3A_51, %broadcast_in_dim3A_53, %select_n3A_46 : vector<64x4096xi1>, vector<64x4096xf32>
      %reduce_max3A_55 = arith.constant dense<0xFF800000> : vector<4096xf32>
      %reduce_max3A_56 = vector.multi_reduction <maximumf>, %select_n3A_54, %reduce_max3A_55 [0] : vector<64x4096xf32> to vector<4096xf32>
      %broadcast_in_dim3A_57 = vector.shape_cast %reduce_max3A_56 : vector<4096xf32> to vector<1x4096xf32>
      %eq3A_58 = vector.broadcast %broadcast_in_dim3A_57 : vector<1x4096xf32> to vector<64x4096xf32>
      %eq3A_59 = arith.cmpf oeq, %select_n3A_54, %eq3A_58 : vector<64x4096xf32>
      %jit3A_60 = arith.constant 0xFF800000 : f32
      %broadcast_in_dim3A_61 = vector.broadcast %jit3A_60 : f32 to vector<64x4096xf32>
      %select_n3A_62 = arith.select %eq3A_59, %broadcast_in_dim3A_61, %select_n3A_54 : vector<64x4096xi1>, vector<64x4096xf32>
      %reduce_max3A_63 = arith.constant dense<0xFF800000> : vector<4096xf32>
      %reduce_max3A_64 = vector.multi_reduction <maximumf>, %select_n3A_62, %reduce_max3A_63 [0] : vector<64x4096xf32> to vector<4096xf32>
      %broadcast_in_dim3A_65 = vector.shape_cast %reduce_max3A_64 : vector<4096xf32> to vector<1x4096xf32>
      %eq3A_66 = vector.broadcast %broadcast_in_dim3A_65 : vector<1x4096xf32> to vector<64x4096xf32>
      %eq3A_67 = arith.cmpf oeq, %select_n3A_62, %eq3A_66 : vector<64x4096xf32>
      %jit3A_68 = arith.constant 0xFF800000 : f32
      %broadcast_in_dim3A_69 = vector.broadcast %jit3A_68 : f32 to vector<64x4096xf32>
      %select_n3A_70 = arith.select %eq3A_67, %broadcast_in_dim3A_69, %select_n3A_62 : vector<64x4096xi1>, vector<64x4096xf32>
      %reduce_max3A_71 = arith.constant dense<0xFF800000> : vector<4096xf32>
      %reduce_max3A_72 = vector.multi_reduction <maximumf>, %select_n3A_70, %reduce_max3A_71 [0] : vector<64x4096xf32> to vector<4096xf32>
      %broadcast_in_dim3A_73 = vector.shape_cast %reduce_max3A_72 : vector<4096xf32> to vector<1x4096xf32>
      %eq3A_74 = vector.broadcast %broadcast_in_dim3A_73 : vector<1x4096xf32> to vector<64x4096xf32>
      %eq3A_75 = arith.cmpf oeq, %select_n3A_70, %eq3A_74 : vector<64x4096xf32>
      %jit3A_76 = arith.constant 0xFF800000 : f32
      %broadcast_in_dim3A_77 = vector.broadcast %jit3A_76 : f32 to vector<64x4096xf32>
      %select_n3A_78 = arith.select %eq3A_75, %broadcast_in_dim3A_77, %select_n3A_70 : vector<64x4096xi1>, vector<64x4096xf32>
      %concatenate3A = tpu.concatenate %broadcast_in_dim3A, %broadcast_in_dim3A_25, %broadcast_in_dim3A_33, %broadcast_in_dim3A_41, %broadcast_in_dim3A_49, %broadcast_in_dim3A_57, %broadcast_in_dim3A_65, %broadcast_in_dim3A_73 in 0 : vector<1x4096xf32>, vector<1x4096xf32>, vector<1x4096xf32>, vector<1x4096xf32>, vector<1x4096xf32>, vector<1x4096xf32>, vector<1x4096xf32>, vector<1x4096xf32> -> vector<8x4096xf32>
      %bitcast_convert_type3A_79 = tpu.bitcast %concatenate3A : vector<8x4096xf32> -> vector<8x4096xi32>
      %lt3A_80 = arith.constant 0 : i32
      %lt3A_81 = vector.broadcast %lt3A_80 : i32 to vector<8x4096xi32>
      %lt3A_82 = arith.cmpi slt, %bitcast_convert_type3A_79, %lt3A_81 : vector<8x4096xi32>
      %and3A_83 = arith.constant 63 : i32
      %and3A_84 = vector.broadcast %and3A_83 : i32 to vector<8x4096xi32>
      %and3A_85 = arith.andi %bitcast_convert_type3A_79, %and3A_84 : vector<8x4096xi32>
      %and3A_86 = arith.constant 63 : i32
      %and3A_87 = vector.broadcast %and3A_86 : i32 to vector<8x4096xi32>
      %and3A_88 = arith.andi %bitcast_convert_type3A_79, %and3A_87 : vector<8x4096xi32>
      %sub3A_89 = arith.constant 63 : i32
      %sub3A_90 = vector.broadcast %sub3A_89 : i32 to vector<8x4096xi32>
      %sub3A_91 = arith.subi %sub3A_90, %and3A_88 : vector<8x4096xi32>
      %select_n3A_92 = arith.select %lt3A_82, %and3A_85, %sub3A_91 : vector<8x4096xi1>, vector<8x4096xi32>
      %slice3A = vector.extract_strided_slice %concatenate3A {offsets = [0, 0], sizes = [1, 4096], strides = [1, 1]} : vector<8x4096xf32> to vector<1x4096xf32>
      %sub3A_93 = vector.broadcast %slice3A : vector<1x4096xf32> to vector<8x4096xf32>
      %sub3A_94 = arith.subf %concatenate3A, %sub3A_93 : vector<8x4096xf32>
      %exp3A = math.exp %sub3A_94 : vector<8x4096xf32>
      %reduce_sum3A = arith.constant dense<0.000000e+00> : vector<4096xf32>
      %reduce_sum3A_95 = vector.multi_reduction <add>, %exp3A, %reduce_sum3A [0] : vector<8x4096xf32> to vector<4096xf32>
      %broadcast_in_dim3A_96 = vector.shape_cast %reduce_sum3A_95 : vector<4096xf32> to vector<1x4096xf32>
      %div3A = vector.broadcast %broadcast_in_dim3A_96 : vector<1x4096xf32> to vector<8x4096xf32>
      %div3A_97 = arith.divf %exp3A, %div3A : vector<8x4096xf32>
      %swap3A_98 = arith.constant 0 : index
      %swap3A_99 = arith.constant 0 : index
      %swap3A_100 = vector.load %arg3[%swap3A_98, %swap3A_99] : memref<8x4096xf32, #tpu.memory_space<vmem>>, vector<8x4096xf32>
      tpu.vector_store %arg3[%swap3A_98, %swap3A_99], %div3A_97 {strides = array<i32>} : memref<8x4096xf32, #tpu.memory_space<vmem>>, vector<8x4096xf32>,
      %swap3A_101 = arith.constant 0 : index
      %swap3A_102 = arith.constant 0 : index
      %swap3A_103 = vector.load %arg4[%swap3A_101, %swap3A_102] : memref<8x4096xi32, #tpu.memory_space<vmem>>, vector<8x4096xi32>
      tpu.vector_store %arg4[%swap3A_101, %swap3A_102], %select_n3A_92 {strides = array<i32>} : memref<8x4096xi32, #tpu.memory_space<vmem>>, vector<8x4096xi32>,
      %eq3A_104 = arith.constant 0xFF800000 : f32
      %eq3A_105 = vector.broadcast %eq3A_104 : f32 to vector<64x4096xf32>
      %eq3A_106 = arith.cmpf oeq, %select_n3A_78, %eq3A_105 : vector<64x4096xf32>
      %convert_element_type3A_107 = arith.extui %eq3A_106 : vector<64x4096xi1> to vector<64x4096xi32>
      %convert_element_type3A_108 = arith.sitofp %convert_element_type3A_107 : vector<64x4096xi32> to vector<64x4096xf32>
      %get3A_109 = arith.constant 0 : index
      %get3A_110 = vector.load %arg5[%get3A_109] : memref<64xf32, #tpu.memory_space<vmem>>, vector<64xf32>
      %reduce_sum3A_111 = arith.constant dense<0.000000e+00> : vector<64xf32>
      %reduce_sum3A_112 = vector.multi_reduction <add>, %convert_element_type3A_108, %reduce_sum3A_111 [1] : vector<64x4096xf32> to vector<64xf32>
      %add3A = arith.addf %get3A_110, %reduce_sum3A_112 : vector<64xf32>
      %swap3A_113 = arith.constant 0 : index
      %swap3A_114 = vector.load %arg5[%swap3A_113] : memref<64xf32, #tpu.memory_space<vmem>>, vector<64xf32>
      tpu.vector_store %arg5[%swap3A_113], %add3A {strides = array<i32>} : memref<64xf32, #tpu.memory_space<vmem>>, vector<64xf32>,
    } else {
    }
    return
  }
  func.func @transform_0(%arg0: i32) -> (i32, i32) {
    %c0_i32 = arith.constant 0 : i32
    %c0_i32_0 = arith.constant 0 : i32
    return %c0_i32, %arg0 : i32, i32
  }
  func.func @transform_1(%arg0: i32) -> (i32, i32) {
    %c0_i32 = arith.constant 0 : i32
    %c0_i32_0 = arith.constant 0 : i32
    return %c0_i32, %arg0 : i32, i32
  }
  func.func @transform_2(%arg0: i32) -> (i32, i32) {
    %c0_i32 = arith.constant 0 : i32
    %c0_i32_0 = arith.constant 0 : i32
    return %c0_i32, %arg0 : i32, i32
  }
  func.func @transform_3(%arg0: i32) -> (i32, i32) {
    %c0_i32 = arith.constant 0 : i32
    %c0_i32_0 = arith.constant 0 : i32
    return %c0_i32, %arg0 : i32, i32
  }
  func.func @transform_4(%arg0: i32) -> i32 {
    %c0_i32 = arith.constant 0 : i32
    %c0_i32_0 = arith.constant 0 : i32
    return %c0_i32 : i32
  }
}

module attributes {stable_mosaic.version = 14 : i64} {
  func.func @_hist_reduce_body(%arg0: memref<32x64xf32, #tpu.memory_space<vmem>>, %arg1: memref<64xf32, #tpu.memory_space<vmem>>, %arg2: memref<64xf32, #tpu.memory_space<vmem>>) attributes {dimension_semantics = [], scalar_prefetch = 0 : i64, scratch_operands = 0 : i64, tpu.core_type = #tpu.core_type<tc>} {
    %get3A = arith.constant 0 : index
    %get3A_0 = arith.constant 0 : index
    %get3A_1 = vector.load %arg0[%get3A, %get3A_0] : memref<32x64xf32, #tpu.memory_space<vmem>>, vector<32x64xf32>
    %reduce_sum3A = arith.constant dense<0.000000e+00> : vector<64xf32>
    %reduce_sum3A_2 = vector.multi_reduction <add>, %get3A_1, %reduce_sum3A [0] : vector<32x64xf32> to vector<64xf32>
    %get3A_3 = arith.constant 0 : index
    %get3A_4 = vector.load %arg1[%get3A_3] : memref<64xf32, #tpu.memory_space<vmem>>, vector<64xf32>
    %add3A = arith.addf %reduce_sum3A_2, %get3A_4 : vector<64xf32>
    %swap3A = arith.constant 0 : index
    %swap3A_5 = vector.load %arg2[%swap3A] : memref<64xf32, #tpu.memory_space<vmem>>, vector<64xf32>
    tpu.vector_store %arg2[%swap3A], %add3A {strides = array<i32>} : memref<64xf32, #tpu.memory_space<vmem>>, vector<64xf32>,
    return
  }
}

</mosaic_0001>

<sc_bundles>
// kernel: kernel.5.cloned.1.call-start
scs
__scs_entry_jumppad:
0x0: {  	(pc) =	sbr.rel $0x88, $3  }
0x1: {  	(tag) =	ssettag $0x0;
	lr =	simm.s32 $0x1  }
0x2: {  	[smem:$0x3FA0] =	sst lr;
	_ =	strace $0xD0000000  }
0x3: {  	_ = 	snop  }
0x4: {  	_ = 	snop  }
0x5: {  	_ = 	snop  }
0x6: {  	_ = 	snop  }
0x7: {  	_ = 	snop  }
__scs_overlays_trampoline_lowered:
0x8: {  	[smem:$0x3FAF] =	sst s0  }
0x9: {  	[smem:$0x3FB0] =	sst s1  }
0xa: {  	[smem:$0x3FB1] =	sst s2  }
0xb: {  	[smem:$0x3FB2] =	sst s3  }
0xc: {  	[smem:$0x3FB3] =	sst s4  }
0xd: {  	[smem:$0x3FB4] =	sst s5  }
0xe: {  	[smem:$0x3FB5] =	sst s6  }
0xf: {  	[smem:$0x3FB6] =	sst s7  }
0x10: {  	[smem:$0x3FB7] =	sst s8  }
0x11: {  	[smem:$0x3FB8] =	sst s9;
	s0 =	simm.s32 @!p0 $0x0  }
0x12: {  	s1 =	sld [smem:$0x3F9E];
	s0 =	simm.s32 @p0 $0x1  }
0x13: {  	[smem:$0x3FB9] =	sst s0;
	s0 =	simm.s32 @!p1 $0x0  }
0x14: {  	s2 =	sld [smem:$0x3F9D];
	s0 =	simm.s32 @p1 $0x1  }
0x15: {  	[smem:$0x3FBA] =	sst s0;
	s0 =	simm.s32 @!p2 $0x0  }
0x16: {  	s3 =	sld [smem:$0x3FDB];
	s0 =	simm.s32 @p2 $0x1  }
0x17: {  	s4 =	simm.s32 $0x1BF5;
	[smem:$0x3FBC] =	sst s0  }
0x18: {  	s0 =	sld [smem:$0x3F9F];
	_ =	swait.ge [sflag:s4], $0x0  }
0x19: {  	s7 =	sld [smem:$0x3FA0]  }
0x1a: {  	s8 =	sadd.s32 $0xFFFFE003, lr  }
0x1b: {  	s9 =	sadd.s32 $0xFFFFFEF7, lr;
	s5 =	simm.s32 $0xFFFFFFFF;
	p2 =	slt.u32 s8, $0xFFFFF086  }
0x1c: {  	p1 =	slt.u32 s9, $0xF7A;
	s5 =	simm.s32 @!p2 $0x0  }
0x1d: {  	s5 =	simm.s32 @p1 $0x1;
	p0 =	seq.s32 s7, s2  }
0x1e: {  	s7 =	smul.u32 @!p0 $0xF7A, s2;
	p2 =	seq.s32 @!p0 s5, $0x0  }
0x1f: {  	s9 =	smul.u32 $0xF7A, s1;
	s8 =	simm.s32 @!p0 $0x1BF5;
	p2 =	por !p2, p0  }
0x20: {  	[sflag:s8] =	ssyncset.s32 @!p0 $0xFFFFF086;
	s6 =	sadd.s32 @!p0 s3, s7;
	s7 =	simm.s32 @!p0 $0x108  }
0x21: {  	s3 =	sadd.s32 s3, s9;
	s6 =	sadd.s32 @!p0 $0x88, s6;
	s7 =	simm.s32 @p2 $0x1082  }
0x22: {  	[simem:s7], [sflag:s8] =	dma.local @!p0 [hbm:s6], $0xF7A  }
0x23: {  	s9 =	sor.u32 $0xD0000000, s2;
	s6 =	simm.s32 $0x108;
	_ =	swait.ge @!p0 [sflag:s8], $0x0  }
0x24: {  	s3 =	sadd.s32 $0x88, s3;
	s6 =	simm.s32 @!p1 $0x1082;
	[sflag:s4] =	ssyncset.s32 $0xFFFFF086  }
0x25: {  	[simem:s6], [sflag:s4] =	dma.local [hbm:s3], $0xF7A  }
0x26: {  	[smem:$0x3FA0] =	sst s1;
	(tag) =	ssettag s2;
	_ =	strace s9  }
0x27: {  	s1 =	sld [smem:$0x3FB0]  }
0x28: {  	s2 =	sld [smem:$0x3FB1]  }
0x29: {  	s4 =	sld [smem:$0x3FB3]  }
0x2a: {  	p0 =	seq.s32 s5, $0x0;
	s5 =	sld [smem:$0x3FB4]  }
0x2b: {  	s6 =	sld [smem:$0x3FB5]  }
0x2c: {  	s7 =	sld [smem:$0x3FB6]  }
0x2d: {  	s3 =	simm.s32 $0x108;
	s8 =	sld [smem:$0x3FB7]  }
0x2e: {  	s3 =	simm.s32 @!p0 $0x1082;
	s9 =	sld [smem:$0x3FB8]  }
0x2f: {  	lr =	sadd.s32 s0, s3;
	s0 =	sld [smem:$0x3FAF]  }
0x30: {  	s3 =	sld [smem:$0x3FB2]  }
0x31: {  	[smem:$0x3FBB] =	sst s10  }
0x32: {  	s10 =	sld [smem:$0x3FB9];
	_ =	sdelay $0x3  }
0x33: {  	p0 =	seq.s32 s10, $0x1;
	s10 =	sld [smem:$0x3FBB];
	_ =	sdelay $0x3  }
0x34: {  	[smem:$0x3FBB] =	sst s10  }
0x35: {  	s10 =	sld [smem:$0x3FBA];
	_ =	sdelay $0x3  }
0x36: {  	p1 =	seq.s32 s10, $0x1;
	s10 =	sld [smem:$0x3FBB];
	_ =	sdelay $0x3  }
0x37: {  	[smem:$0x3FBB] =	sst s10  }
0x38: {  	s10 =	sld [smem:$0x3FBC]  }
0x39: {  	_ = 	snop;
	(pc) =	sbr.ind lr, $3  }
0x3a: {  	_ = 	snop  }
0x3b: {  	_ = 	snop  }
0x3c: {  	p2 =	seq.s32 s10, $0x1;
	s10 =	sld [smem:$0x3FBB]  }
0x3d: {  	_ =	shalt  }
0x3e: {  	_ =	shalt  }
0x3f: {  	_ =	shalt  }
0x40: {  	_ =	shalt  }
0x41: {  	_ =	shalt  }
0x42: {  	_ =	shalt  }
0x43: {  	_ =	shalt  }
0x44: {  	_ =	shalt  }
0x45: {  	_ =	shalt  }
0x46: {  	_ =	shalt  }
0x47: {  	_ =	shalt  }
0x48: {  	_ =	shalt  }
0x49: {  	_ =	shalt  }
0x4a: {  	_ =	shalt  }
0x4b: {  	_ =	shalt  }
0x4c: {  	_ =	shalt  }
0x4d: {  	_ =	shalt  }
0x4e: {  	_ =	shalt  }
0x4f: {  	_ =	shalt  }
0x50: {  	_ =	shalt  }
0x51: {  	_ =	shalt  }
0x52: {  	_ =	shalt  }
0x53: {  	_ =	shalt  }
0x54: {  	_ =	shalt  }
0x55: {  	_ =	shalt  }
0x56: {  	_ =	shalt  }
0x57: {  	_ =	shalt  }
0x58: {  	_ =	shalt  }
0x59: {  	_ =	shalt  }
0x5a: {  	_ =	shalt  }
0x5b: {  	_ =	shalt  }
0x5c: {  	_ =	shalt  }
0x5d: {  	_ =	shalt  }
0x5e: {  	_ =	shalt  }
0x5f: {  	_ =	shalt  }
0x60: {  	_ =	shalt  }
0x61: {  	_ =	shalt  }
0x62: {  	_ =	shalt  }
0x63: {  	_ =	shalt  }
0x64: {  	_ =	shalt  }
0x65: {  	_ =	shalt  }
0x66: {  	_ =	shalt  }
0x67: {  	_ =	shalt  }
0x68: {  	_ =	shalt  }
0x69: {  	_ =	shalt  }
0x6a: {  	_ =	shalt  }
0x6b: {  	_ =	shalt  }
0x6c: {  	_ =	shalt  }
0x6d: {  	_ =	shalt  }
0x6e: {  	_ =	shalt  }
0x6f: {  	_ =	shalt  }
0x70: {  	_ =	shalt  }
0x71: {  	_ =	shalt  }
0x72: {  	_ =	shalt  }
0x73: {  	_ =	shalt  }
0x74: {  	_ =	shalt  }
0x75: {  	_ =	shalt  }
0x76: {  	_ =	shalt  }
0x77: {  	_ =	shalt  }
0x78: {  	_ =	shalt  }
0x79: {  	_ =	shalt  }
0x7a: {  	_ =	shalt  }
0x7b: {  	_ =	shalt  }
0x7c: {  	_ =	shalt  }
0x7d: {  	_ =	shalt  }
0x7e: {  	_ =	shalt  }
0x7f: {  	_ =	shalt  }
0x80: {  	_ =	shalt  }
0x81: {  	_ =	shalt  }
0x82: {  	_ =	shalt  }
0x83: {  	_ =	shalt  }
0x84: {  	_ =	shalt  }
0x85: {  	_ =	shalt  }
0x86: {  	_ =	shalt  }
0x87: {  	_ =	shalt  }
.Lfunc_end0:
.L_simem_size_0:
called_computation_lowered:
.L_overlay_start_0:
0x88: {  	s2 =	sld [smem:$0x3FD9]  }
0x89: {  	s3 =	sld [smem:$0x3FFE];
	_ =	sdelay $0x1  }
0x8a: {  	s1 =	srdreg.scid  }
0x8b: {  	s0 =	sand.u32 $0x1, s1  }
0x8c: {  	s16 =	sshll.u32 s0, $0xA;
	s2 =	sadd.s32 s3, s2  }
0x8d: {  	s2 =	sadd.s32 s2, s16  }
0x8e: {  	[smem:$0x3FC7] =	sst s2  }
0x8f: {  	_ = 	snop  }
0x90: {  	(tm) =	ssettm $0x1  }
0x91: {  	s17 =	sld [smem:$0x3FFB];
	_ =	sdelay $0x3  }
0x92: {  	_ =	strace s17  }
0x93: {  	s2 =	sld [smem:$0x3FFC];
	_ =	sdelay $0x3  }
0x94: {  	_ =	strace s2  }
0x95: {  	s2 =	sld [smem:$0x3FFD];
	_ =	sdelay $0x3  }
0x96: {  	_ =	strace s2  }
0x97: {  	_ =	strace $0x8FFFFFFF  }
0x98: {  	s18 =	sld [smem:$0x3FDB];
	_ =	sdelay $0x1  }
0x99: {  	s19 =	simm.s32 $_scs_section_size  }
0x9a: {  	s4 =	simm.s32 $_size__tile_overlayer_lowered;
	s5 =	simm.s32 $_tile_overlayer_lowered  }
0x9b: {  	s22 =	simm.s32 $0x1BFF;
	s21 =	sshll.u32 s5, $0x1;
	s2 =	sadd.s32 s19, s18  }
0x9c: {  	s6 =	simm.s32 $0x0;
	s20 =	sshll.u32 s4, $0x1;
	s4 =	sadd.s32 s21, s2  }
0x9d: {  	[timem:s6], [sflag:s22] =	dma.local [hbm:s4], s20  }
0x9e: {  	_ =	swait.ge [sflag:s22], s20  }
0x9f: {  	s3 =	ssub.s32 $0x0, s20;
	[sflag:s22] =	ssyncset.done $0x0  }
0xa0: {  	[sflag:s22] =	ssyncadd.s32 s3;
	_ =	sdelay $0x1  }
0xa1: {  	s23 =	simm.s32 $0x1B8B  }
0xa2: {  	_ =	swait.ge [sflag:s23], $0x1  }
0xa3: {  	[sflag:s23] =	ssyncset.done $0x0  }
0xa4: {  	s25 =	simm.s32 $0x1B8E;
	s24 =	sld [smem:$0x3FFE];
	[sflag:s23] =	ssyncadd.s32 $0xFFFFFFFF  }
0xa5: {  	s26 =	simm.s32 $execute0_lowered;
	[smem:$0x3FD2] =	sst s25  }
0xa6: {  	s4 =	sshll.u32 s26, $0x1;
	_ =	strace $0x80000046;
	[dreg:$0x1] =	wrdreg $0xFFFFFFFF  }
0xa7: {  	s28 =	simm.s32 $_size_execute0_lowered;
	s2 =	sadd.s32 s2, s4;
	[dreg:$0x0] =	wrdreg $0x0  }
0xa8: {  	s4 =	sshll.u32 s28, $0x1;
	[dreg:$0x2] =	wrdreg s2  }
0xa9: {  	[dreg:$0x3] =	wrdreg s4  }
0xaa: {  	[dreg:$0x4] =	wrdreg $0xC0  }
0xab: {  	_ =	task [dreg:s6], $0x5FFFF  }
0xac: {  	[dreg:$0x1] =	wrdreg $0xFFFFFFFF  }
0xad: {  	[dreg:$0x0] =	wrdreg $0x60  }
0xae: {  	[dreg:$0x2] =	wrdreg s24  }
0xaf: {  	[dreg:$0x3] =	wrdreg $0x9  }
0xb0: {  	_ =	task.clear_ibuf [dreg:s6], $0x4FFFF;
	_ =	strace $0x90000046  }
0xb1: {  	s29 =	simm.s32 $0x9;
	_ =	strace $0x80000048  }
0xb2: {  	_ =	swait.ge [sflag:s29], $0x1  }
0xb3: {  	[sflag:s29] =	ssyncadd.s32 $0xFFFFFFFF  }
0xb4: {  	_ =	strace $0x90000048  }
0xb5: {  	_ =	sfence  }
0xb6: {  	s30 =	sld [smem:$0x0];
	_ =	sdelay $0x2  }
0xb7: {  	s31 =	sshll.u32 s1, $0xD;
	s1 =	sshrl.u32 s1, $0x2  }
0xb8: {  	s3 =	sand.u32 $0x4000, s31;
	s1 =	sadd.s32 s1, s30  }
0xb9: {  	s0 =	sor.u32 s3, s0;
	s1 =	sshll.u32 s1, $0x11  }
0xba: {  	s0 =	sor.u32 s1, s0  }
0xbb: {  	s0 =	sadd.s32 $0x8F2B, s0  }
0xbc: {  	[sflag:s0] =	ssyncadd.remote.s32 $0x1  }
0xbd: {  	_ =	sfence.sel $0xFFFF  }
0xbe: {  	[dreg:$0x0] =	wrdreg $0xFFFFFFFF;
	(pc) =	sbr.abs _section_cstart, $3  }
0xbf: {  	[dreg:$0x1] =	wrdreg $0xFFFFFFFF  }
0xc0: {  	_ =	task.clear_ibuf [dreg:s6], $0x2FFFF;
	_ =	strace $0x9FFFFFFF  }
0xc1: {  	(tm) =	ssettm $0x7FFFFFFF  }
tec
execute0_lowered:
.L_overlay_start_1:
0x0: {  	(tag) =	ssettag $0x1  }
0x1: {  	s3 =	rddreg [dreg:$0x0]  }
0x2: {  	s0 =	rddreg [dreg:$0x1]  }
0x3: {  	s4 =	srdreg.scid;
	s1 =	stileid.u32;
	s2 =	simm.s32 $0x0;
	v0 =	vimm.s32 $0xE40000  }
0x4: {  	s10 =	simm.s32 $0x2400;
	s11 =	simm.s32 $0x2800;
	s12 =	simm.s32 $0x0;
	v1 =	vunpack.c.l.s2.s4 v0  }
0x5: {  	v2 =	vimm.s32 $0x1234567;
	s4 =	sand.u32 $0x1, s4;
	s5 =	sshll.u32 s1, $0x1;
	[smem:$0x7FF] =	sst s2  }
0x6: {  	v7 =	vimm.s32 $0x7060504;
	v4 =	vunpack.c.l.s4.s8 v2;
	s5 =	sor.u32 s4, s5;
	_ =	strace $0x80000047;
	s4 =	ssub.s32 $0x2, s4;
	v5 =	vunpack.c.l.s4.s8 v1  }
0x7: {  	vm0 =	vcmask $0x1F00;
	v0 =	vlaneseq.u32;
	v7 =	vunpack.c.0.s8.s32 v7;
	s6 =	sshll.u32 s5, $0xA;
	s7 =	sshll.u32 s5, $0x7;
	s5 =	sshll.u32 s5, $0x3  }
0x8: {  	v2 =	vor.u32 $0x10, v0;
	s8 =	sshrl.u32 s4, $0x1;
	v6 =	vunpack.c.0.s8.s32 v4;
	s6 =	sadd.s32 s6, s3;
	s7 =	sadd.s32 s7, s3;
	v8 =	vunpack.c.0.s8.s32 v5  }
0x9: {  	v3 =	vor.u32 $0x20, v0;
	v1 =	vimm.f32 $0.0e+00;
	v4 =	vor.u32 $0x30, v0;
	s9 =	sadd.s32 s5, s3;
	s8 =	ssub.s32 s4, s8;
	s3 =	sadd.s32 $0x1200, s6  }
0xa: {  	s4 =	sadd.s32 $0x9400, s7;
	s5 =	sadd.s32 $0xA400, s7;
	s6 =	sadd.s32 $0x9200, s9;
	v5 =	vnsel vm0, $0x0, v6;
	vm0 =	vcmask $0x3F30;
	v6 =	vand.u32 $0x3, v8  }
0xb: {  	s7 =	smax.u32 s8, $0x1;
	s8 =	simm.s32 $0x1;
	s9 =	simm.s32 $0x2000;
	v6 =	vsel vm0, v7, v6;
	vm0 =	vmmov $0xff;
	v7 =	vimm.f32 $1.000000000e+00  }
.LBB2_1:
0xc: {  	[tilespmem:s2], [sflag:$0x1] =	stream.linear.gather [hbm4b:s3+s2], $0x2000, $0x38;
	[tilespmem:$0x2880] =	vst v63  }
0xd: {  	_ =	swait.ge [sflag:s8], $0x2000  }
0xe: {  	[sflag:s8] =	ssyncset.done $0x0  }
0xf: {  	[sflag:s8] =	ssyncadd.s32 $0xFFFFE000  }
0x10: {  	[tilespmem:$0x2800] =	vst v1  }
0x11: {  	[tilespmem:$0x2810] =	vst v1  }
0x12: {  	[tilespmem:$0x2820] =	vst v1  }
0x13: {  	s13 =	simm.s32 $0xC0;
	s14 =	simm.s32 $0x80;
	s15 =	simm.s32 $0x0;
	[tilespmem:$0x2830] =	vst v1  }
.LBB2_2:
0x14: {  	v8 =	vld [tilespmem:s14+$0xFFFFFF80]  }
0x15: {  	v9 =	vld [tilespmem:s14+$0xFFFFFF90]  }
0x16: {  	v10 =	vld [tilespmem:s14+$0xFFFFFFA0]  }
0x17: {  	v11 =	vld [tilespmem:s14+$0xFFFFFFB0];
	_ =	sdelay $0x1  }
0x18: {  	(xrf1) =	vsort.dscd.msk.f32 $0xffff, v8, v0  }
0x19: {  	(xrf1) =	vsort.dscd.msk.f32 $0xffff, v9, v2  }
0x1a: {  	(xrf1) =	vsort.dscd.msk.f32 $0xffff, v10, v3  }
0x1b: {  	(xrf1) =	vsort.dscd.msk.f32 $0xffff, v11, v4;
	_ =	sdelay $0xa  }
0x1c: {  	v8, v21, _ =	vpop (xrf1)  }
0x1d: {  	v22, v23, _ =	vpop (xrf1)  }
0x1e: {  	v12, v13, _ =	vpop (xrf1)  }
0x1f: {  	v14, v15, _ =	vpop (xrf1)  }
0x20: {  	v14 =	vperm.xlane v14, v5  }
0x21: {  	v15 =	vperm.xlane v15, v5  }
0x22: {  	v10 =	vperm.xlane v22, v5;
	vm1 =	vge.f32 v12, v14  }
0x23: {  	v11 =	vperm.xlane v23, v5;
	v12 =	vsel vm1, v12, v14;
	v13 =	vsel vm1, v13, v15  }
0x24: {  	vm1 =	vge.f32 v8, v10;
	v12 =	vperm.xlane v12, v6;
	v13 =	vperm.xlane v13, v6  }
0x25: {  	v8 =	vsel vm1, v8, v10;
	v9 =	vsel vm1, v21, v11  }
0x26: {  	v8 =	vsel vm0, v8, v12;
	v9 =	vsel vm0, v9, v13  }
0x27: {  	(xrf1) =	vsort.dscd.msk.f32 $0xffff, v8, v9;
	_ =	sdelay $0xd  }
0x28: {  	v8, v9, _ =	vpop (xrf1)  }
0x29: {  	(xrf0) =	vmax.scan.msk.f32 $0xffff, v8;
	_ =	sdelay $0x5  }
0x2a: {  	v24, _, _ =	vpop (xrf0)  }
0x2b: {  	v10 =	vbroadcast v24, $0xF;
	_ =	sdelay $0x1  }
0x2c: {  	v8 =	vsub.f32 v8, v10;
	_ =	sdelay $0x1  }
0x2d: {  	v8 =	vmul.f32 $1.442695020e+00, v8;
	_ =	sdelay $0x1  }
0x2e: {  	(erf) = vpow2.f32 v8;
	_ =	sdelay $0x8  }
0x2f: {  	v8 =	vpop (erf)  }
0x30: {  	v8 =	vnsel vm0, $0x0, v8  }
0x31: {  	(xrf2) =	vadd.scan.msk.f32 $0xffff, v8;
	_ =	sdelay $0x9  }
0x32: {  	v25, _, _ =	vpop (xrf2)  }
0x33: {  	v10 =	vbroadcast v25, $0xF;
	_ =	sdelay $0x1  }
0x34: {  	(erf) = vrcp.f32 v10;
	_ =	sdelay $0x6  }
0x35: {  	v26 =	vor.u32 s15, v0;
	_ =	sdelay $0x1  }
0x36: {  	v27 =	vpop (erf)  }
0x37: {  	v8 =	vmul.f32 v27, v8;
	_ =	sdelay $0x1  }
0x38: {  	[tilespmem:v26+s9+$0x0] =	vst.idx.msk $0xff, v8  }
0x39: {  	[tilespmem:v26+s10+$0x0] =	vst.idx.msk $0xff, v9  }
0x3a: {  	s16 =	sadd.s32 $0xFFFFFF80, s13;
	[tilespmem:v9+s11+$0x0] =	vst.idx.add.f32.msk $0xff, v7  }
0x3b: {  	s17 =	sor.u32 $0x50, s16;
	v8 =	vld [tilespmem:s14+$0xFFFFFFC0]  }
0x3c: {  	s24 =	sor.u32 $0x60, s16;
	v9 =	vld [tilespmem:s17+$0x0]  }
0x3d: {  	s16 =	sor.u32 $0x70, s16;
	v10 =	vld [tilespmem:s24+$0x0]  }
0x3e: {  	v28 =	vld [tilespmem:s16+$0x0];
	_ =	sdelay $0x1  }
0x3f: {  	(xrf1) =	vsort.dscd.msk.f32 $0xffff, v8, v0  }
0x40: {  	(xrf1) =	vsort.dscd.msk.f32 $0xffff, v9, v2  }
0x41: {  	(xrf1) =	vsort.dscd.msk.f32 $0xffff, v10, v3  }
0x42: {  	(xrf1) =	vsort.dscd.msk.f32 $0xffff, v28, v4;
	_ =	sdelay $0xa  }
0x43: {  	v8, v29, _ =	vpop (xrf1)  }
0x44: {  	v30, v31, _ =	vpop (xrf1)  }
0x45: {  	v32, v33, _ =	vpop (xrf1)  }
0x46: {  	v34, v35, _ =	vpop (xrf1)  }
0x47: {  	v14 =	vperm.xlane v34, v5  }
0x48: {  	v15 =	vperm.xlane v35, v5  }
0x49: {  	v10 =	vperm.xlane v30, v5;
	vm1 =	vge.f32 v32, v14  }
0x4a: {  	v11 =	vperm.xlane v31, v5;
	v12 =	vsel vm1, v32, v14;
	v13 =	vsel vm1, v33, v15  }
0x4b: {  	vm1 =	vge.f32 v8, v10;
	v12 =	vperm.xlane v12, v6;
	v13 =	vperm.xlane v13, v6  }
0x4c: {  	v8 =	vsel vm1, v8, v10;
	v9 =	vsel vm1, v29, v11  }
0x4d: {  	v8 =	vsel vm0, v8, v12;
	v9 =	vsel vm0, v9, v13  }
0x4e: {  	(xrf1) =	vsort.dscd.msk.f32 $0xffff, v8, v9;
	_ =	sdelay $0xd  }
0x4f: {  	v8, v9, _ =	vpop (xrf1)  }
0x50: {  	(xrf0) =	vmax.scan.msk.f32 $0xffff, v8;
	_ =	sdelay $0x5  }
0x51: {  	v36, _, _ =	vpop (xrf0)  }
0x52: {  	v10 =	vbroadcast v36, $0xF;
	_ =	sdelay $0x1  }
0x53: {  	v8 =	vsub.f32 v8, v10;
	_ =	sdelay $0x1  }
0x54: {  	v8 =	vmul.f32 $1.442695020e+00, v8;
	_ =	sdelay $0x1  }
0x55: {  	(erf) = vpow2.f32 v8;
	_ =	sdelay $0x8  }
0x56: {  	v8 =	vpop (erf)  }
0x57: {  	v8 =	vnsel vm0, $0x0, v8  }
0x58: {  	(xrf2) =	vadd.scan.msk.f32 $0xffff, v8;
	_ =	sdelay $0x9  }
0x59: {  	v37, _, _ =	vpop (xrf2)  }
0x5a: {  	v10 =	vbroadcast v37, $0xF;
	_ =	sdelay $0x1  }
0x5b: {  	(erf) = vrcp.f32 v10;
	_ =	sdelay $0x5  }
0x5c: {  	s25 =	sadd.s32 $0x8, s15  }
0x5d: {  	v38 =	vadd.s32 s25, v0;
	_ =	sdelay $0x1  }
0x5e: {  	v39 =	vpop (erf)  }
0x5f: {  	v8 =	vmul.f32 v39, v8;
	_ =	sdelay $0x1  }
0x60: {  	[tilespmem:v38+s9+$0x0] =	vst.idx.msk $0xff, v8  }
0x61: {  	[tilespmem:v38+s10+$0x0] =	vst.idx.msk $0xff, v9  }
0x62: {  	[tilespmem:v9+s11+$0x0] =	vst.idx.add.f32.msk $0xff, v7  }
0x63: {  	v8 =	vld [tilespmem:s14+$0x0]  }
0x64: {  	v9 =	vld [tilespmem:s14+$0x10]  }
0x65: {  	v10 =	vld [tilespmem:s14+$0x20]  }
0x66: {  	v40 =	vld [tilespmem:s14+$0x30];
	_ =	sdelay $0x1  }
0x67: {  	(xrf1) =	vsort.dscd.msk.f32 $0xffff, v8, v0  }
0x68: {  	(xrf1) =	vsort.dscd.msk.f32 $0xffff, v9, v2  }
0x69: {  	(xrf1) =	vsort.dscd.msk.f32 $0xffff, v10, v3  }
0x6a: {  	(xrf1) =	vsort.dscd.msk.f32 $0xffff, v40, v4;
	_ =	sdelay $0xa  }
0x6b: {  	v8, v41, _ =	vpop (xrf1)  }
0x6c: {  	v42, v43, _ =	vpop (xrf1)  }
0x6d: {  	v44, v45, _ =	vpop (xrf1)  }
0x6e: {  	v46, v47, _ =	vpop (xrf1)  }
0x6f: {  	v14 =	vperm.xlane v46, v5  }
0x70: {  	v15 =	vperm.xlane v47, v5  }
0x71: {  	v10 =	vperm.xlane v42, v5;
	vm1 =	vge.f32 v44, v14  }
0x72: {  	v11 =	vperm.xlane v43, v5;
	v12 =	vsel vm1, v44, v14;
	v13 =	vsel vm1, v45, v15  }
0x73: {  	vm1 =	vge.f32 v8, v10;
	v12 =	vperm.xlane v12, v6;
	v13 =	vperm.xlane v13, v6  }
0x74: {  	v8 =	vsel vm1, v8, v10;
	v9 =	vsel vm1, v41, v11  }
0x75: {  	v8 =	vsel vm0, v8, v12;
	v9 =	vsel vm0, v9, v13  }
0x76: {  	(xrf1) =	vsort.dscd.msk.f32 $0xffff, v8, v9;
	_ =	sdelay $0xd  }
0x77: {  	v8, v9, _ =	vpop (xrf1)  }
0x78: {  	(xrf0) =	vmax.scan.msk.f32 $0xffff, v8;
	_ =	sdelay $0x5  }
0x79: {  	v48, _, _ =	vpop (xrf0)  }
0x7a: {  	v10 =	vbroadcast v48, $0xF;
	_ =	sdelay $0x1  }
0x7b: {  	v8 =	vsub.f32 v8, v10;
	_ =	sdelay $0x1  }
0x7c: {  	v8 =	vmul.f32 $1.442695020e+00, v8;
	_ =	sdelay $0x1  }
0x7d: {  	(erf) = vpow2.f32 v8;
	_ =	sdelay $0x8  }
0x7e: {  	v8 =	vpop (erf)  }
0x7f: {  	v8 =	vnsel vm0, $0x0, v8  }
0x80: {  	(xrf2) =	vadd.scan.msk.f32 $0xffff, v8;
	_ =	sdelay $0x9  }
0x81: {  	v49, _, _ =	vpop (xrf2)  }
0x82: {  	v10 =	vbroadcast v49, $0xF;
	_ =	sdelay $0x1  }
0x83: {  	(erf) = vrcp.f32 v10;
	_ =	sdelay $0x5  }
0x84: {  	s26 =	sadd.s32 $0x10, s15  }
0x85: {  	v50 =	vor.u32 s26, v0;
	_ =	sdelay $0x1  }
0x86: {  	v51 =	vpop (erf)  }
0x87: {  	v8 =	vmul.f32 v51, v8;
	_ =	sdelay $0x1  }
0x88: {  	[tilespmem:v50+s9+$0x0] =	vst.idx.msk $0xff, v8  }
0x89: {  	[tilespmem:v50+s10+$0x0] =	vst.idx.msk $0xff, v9  }
0x8a: {  	[tilespmem:v9+s11+$0x0] =	vst.idx.add.f32.msk $0xff, v7  }
0x8b: {  	s28 =	sor.u32 $0x50, s13;
	v8 =	vld [tilespmem:s14+$0x40]  }
0x8c: {  	s29 =	sor.u32 $0x60, s13;
	v9 =	vld [tilespmem:s28+$0x0]  }
0x8d: {  	s30 =	sor.u32 $0x70, s13;
	v10 =	vld [tilespmem:s29+$0x0]  }
0x8e: {  	v52 =	vld [tilespmem:s30+$0x0];
	_ =	sdelay $0x1  }
0x8f: {  	(xrf1) =	vsort.dscd.msk.f32 $0xffff, v8, v0  }
0x90: {  	(xrf1) =	vsort.dscd.msk.f32 $0xffff, v9, v2  }
0x91: {  	(xrf1) =	vsort.dscd.msk.f32 $0xffff, v10, v3  }
0x92: {  	(xrf1) =	vsort.dscd.msk.f32 $0xffff, v52, v4;
	_ =	sdelay $0xa  }
0x93: {  	v8, v53, _ =	vpop (xrf1)  }
0x94: {  	v54, v55, _ =	vpop (xrf1)  }
0x95: {  	v56, v57, _ =	vpop (xrf1)  }
0x96: {  	v58, v59, _ =	vpop (xrf1)  }
0x97: {  	v14 =	vperm.xlane v58, v5  }
0x98: {  	v15 =	vperm.xlane v59, v5  }
0x99: {  	v10 =	vperm.xlane v54, v5;
	vm1 =	vge.f32 v56, v14  }
0x9a: {  	v11 =	vperm.xlane v55, v5;
	v12 =	vsel vm1, v56, v14;
	v13 =	vsel vm1, v57, v15  }
0x9b: {  	vm1 =	vge.f32 v8, v10;
	v12 =	vperm.xlane v12, v6;
	v13 =	vperm.xlane v13, v6  }
0x9c: {  	v8 =	vsel vm1, v8, v10;
	v9 =	vsel vm1, v53, v11  }
0x9d: {  	v8 =	vsel vm0, v8, v12;
	v9 =	vsel vm0, v9, v13  }
0x9e: {  	(xrf1) =	vsort.dscd.msk.f32 $0xffff, v8, v9;
	_ =	sdelay $0xd  }
0x9f: {  	v8, v9, _ =	vpop (xrf1)  }
0xa0: {  	(xrf0) =	vmax.scan.msk.f32 $0xffff, v8;
	_ =	sdelay $0x5  }
0xa1: {  	v60, _, _ =	vpop (xrf0)  }
0xa2: {  	v10 =	vbroadcast v60, $0xF;
	_ =	sdelay $0x1  }
0xa3: {  	v8 =	vsub.f32 v8, v10;
	_ =	sdelay $0x1  }
0xa4: {  	v8 =	vmul.f32 $1.442695020e+00, v8;
	_ =	sdelay $0x1  }
0xa5: {  	(erf) = vpow2.f32 v8;
	_ =	sdelay $0x8  }
0xa6: {  	v8 =	vpop (erf)  }
0xa7: {  	v8 =	vnsel vm0, $0x0, v8  }
0xa8: {  	(xrf2) =	vadd.scan.msk.f32 $0xffff, v8;
	_ =	sdelay $0x9  }
0xa9: {  	v61, _, _ =	vpop (xrf2)  }
0xaa: {  	v10 =	vbroadcast v61, $0xF;
	_ =	sdelay $0x1  }
0xab: {  	(erf) = vrcp.f32 v10;
	_ =	sdelay $0x5  }
0xac: {  	s31 =	sadd.s32 $0x18, s15  }
0xad: {  	v62 =	vadd.s32 s31, v0;
	_ =	sdelay $0x1  }
0xae: {  	p0 =	sne.s32 s13, $0x1FC0;
	v63 =	vpop (erf)  }
.Ltmp0:
0xaf: {  	v8 =	vmul.f32 v63, v8;
	(pc) =	sbr.rel @p0 .LBB2_2-.Ltmp0, $4  }
0xb0: {  	_ = 	snop  }
0xb1: {  	[tilespmem:v62+s9+$0x0] =	vst.idx.msk $0xff, v8  }
0xb2: {  	[tilespmem:v62+s10+$0x0] =	vst.idx.msk $0xff, v9  }
0xb3: {  	s15 =	sadd.s32 $0x20, s15;
	s13 =	sadd.s32 $0x100, s13;
	s14 =	sadd.s32 $0x100, s14;
	[tilespmem:v9+s11+$0x0] =	vst.idx.add.f32.msk $0xff, v7  }
0xb4: {  	[hbm4b:s4+s2] =	stream.linear.scatter [tilespmem:s9], [sflag:$0x1], $0x400, $0x38;
	[tilespmem:$0x2880] =	vst v63  }
0xb5: {  	_ =	swait.ge [sflag:s8], $0x400  }
0xb6: {  	[sflag:s8] =	ssyncset.done $0x0  }
0xb7: {  	[sflag:s8] =	ssyncadd.s32 $0xFFFFFC00  }
0xb8: {  	[hbm4b:s5+s2] =	stream.linear.scatter [tilespmem:s10], [sflag:$0x1], $0x400, $0x38;
	[tilespmem:$0x2880] =	vst v63  }
0xb9: {  	s12 =	sadd.s32 $0x1, s12;
	_ =	swait.ge [sflag:s8], $0x400  }
0xba: {  	p0 =	sne.s32 s12, s7;
	[sflag:s8] =	ssyncset.done $0x0  }
.Ltmp1:
0xbb: {  	[sflag:s8] =	ssyncadd.s32 $0xFFFFFC00;
	(pc) =	sbr.rel @p0 .LBB2_1-.Ltmp1, $4  }
0xbc: {  	[hbm4b:s6+s2] =	stream.linear.scatter [tilespmem:s11], [sflag:$0x1], $0x40, $0x38;
	[tilespmem:$0x2880] =	vst v63  }
0xbd: {  	_ =	swait.ge [sflag:s8], $0x40  }
0xbe: {  	[sflag:s8] =	ssyncset.done $0x0  }
0xbf: {  	[sflag:s8] =	ssyncadd.s32 $0xFFFFFFC0  }
0xc0: {  	_ =	sfence.sel $0x180000  }
0xc1: {  	[bflag:$0x0] =	sbarrier.arrive $0xFFFF  }
0xc2: {  	p0 =	sne.s32 s1, $0x0;
	_ =	strace $0x90000047  }
0xc3: {  	s0 =	sadd.s32 @!p0 $0x100000, s0;
	[bflag:$0x2] =	sbarrier.arrive $0xFFFF  }
0xc4: {  	[sflag:s0] =	ssyncadd.tile.s32 @!p0 $0x1;
	_ =	shalt  }
.Lfunc_end2:
_tile_overlayer_lowered:
.L_overlay_start_2:
0xc5: {  	(tag) =	ssettag $0x2  }
0xc6: {  	s0 =	rddreg [dreg:$0x0];
	s2 =	stileid.u32  }
0xc7: {  	s1 =	rddreg [dreg:$0x1];
	p0 =	sne.s32 s2, $0x0  }
0xc8: {  	s3 =	rddreg [dreg:$0x2];
	[bflag:$0x3] =	sbarrier.arrive $0xFFFF;
	s2 =	simm.s32 @!p0 $0x1C01  }
0xc9: {  	[timem:s3], [sflag:s2] =	dma.local @!p0 [hbm:s0], s1  }
0xca: {  	s0 =	simm.s32 @!p0 $0x1  }
0xcb: {  	_ =	swait.ge @!p0 [sflag:s0], s1  }
0xcc: {  	s1 =	ssub.s32 @!p0 $0x0, s1;
	[sflag:s0] =	ssyncset.done @!p0 $0x0  }
0xcd: {  	[sflag:s0] =	ssyncadd.s32 @!p0 s1  }
0xce: {  	[bflag:$0x3] =	sbarrier.arrive $0xFFFF  }
0xcf: {  	_ =	shalt  }

</sc_bundles>
